<compile_context>
chip_gen: v7x
topology: tpu7x:2x2x1
jax: 0.10.2.dev20260603
libtpu: 0.0.44.dev20260713+nightly
codegen_flags: <defaults>
</compile_context>

<pallas_src>
import functools

import jax
import jax.numpy as jnp
from jax import lax
from jax.experimental import pallas as pl
from jax.experimental.pallas import tpu as pltpu
from jax.experimental.pallas import tpu_sc as plsc

_NC = 2
_NS = 16
_C = 128


def _edge_kernel(xr_ref, xc_ref, ea_ref, W1a_ref, W1b_ref, W1c_ref, b1_ref,
                 ln1g_ref, ln1b_ref, leW_ref, leb_ref, t_ref,
                 ean_ref, exA_ref, exB_ref):
    xr = xr_ref[...]
    ea = ea_ref[...]
    h = (jnp.dot(xr, W1a_ref[...], preferred_element_type=jnp.float32)
         + jnp.dot(xc_ref[...], W1b_ref[...], preferred_element_type=jnp.float32)
         + jnp.dot(ea, W1c_ref[...], preferred_element_type=jnp.float32)
         + b1_ref[...])
    h = jnp.maximum(h, 0.0)
    mu = jnp.mean(h, axis=-1, keepdims=True)
    var = jnp.mean((h - mu) * (h - mu), axis=-1, keepdims=True)
    h = (h - mu) / jnp.sqrt(var + 1e-5) * ln1g_ref[...] + ln1b_ref[...]
    ean = h + ea
    ean_ref[...] = ean
    e = jnp.dot(ean, leW_ref[...], preferred_element_type=jnp.float32) + leb_ref[...]
    msg = jnp.maximum(xr + e, 0.0) + 1e-7
    ex = jnp.exp(msg * t_ref[0])
    exA_ref[...] = ex
    exB_ref[...] = ex * msg


def _node_kernel(x_ref, S0a_ref, S0b_ref, S1a_ref, S1b_ref,
                 Wa_ref, ba_ref, bng_ref, bnb_ref,
                 Wb_ref, bb_ref, scale_ref, nng_ref, nnb_ref, out_ref):
    x = x_ref[...]
    aggr = ((S1a_ref[...] + S1b_ref[...])
            / (S0a_ref[...] + S0b_ref[...] + 1e-16))
    h2 = x + aggr
    y = jnp.dot(h2, Wa_ref[...], preferred_element_type=jnp.float32) + ba_ref[...]
    y = (y / jnp.sqrt(jnp.float32(1.0 + 1e-5))) * bng_ref[...] + bnb_ref[...]
    y = jnp.maximum(y, 0.0)
    z = jnp.dot(y, Wb_ref[...], preferred_element_type=jnp.float32) + bb_ref[...]
    nrm = jnp.sqrt(jnp.sum(z * z, axis=-1, keepdims=True))
    h2n = z / jnp.maximum(nrm, 1e-12)
    xn = jnp.sqrt(jnp.sum(x * x, axis=-1, keepdims=True))
    v = x + h2n * xn * scale_ref[0]
    mu = jnp.mean(v, axis=-1, keepdims=True)
    var = jnp.mean((v - mu) * (v - mu), axis=-1, keepdims=True)
    out_ref[...] = (v - mu) / jnp.sqrt(var + 1e-5) * nng_ref[...] + nnb_ref[...]


def _make_gather(N, D, EP, RBW):
    NW = _NC * _NS
    mesh = plsc.VectorSubcoreMesh(core_axis_name="c", subcore_axis_name="s",
                                  num_cores=_NC, num_subcores=_NS)

    @functools.partial(
        pl.kernel,
        out_type=[jax.ShapeDtypeStruct((EP, D), jnp.float32),
                  jax.ShapeDtypeStruct((EP, D), jnp.float32)],
        mesh=mesh,
        scratch_types=[
            pltpu.VMEM((RBW, _C), jnp.int32),
            pltpu.VMEM((RBW, _C), jnp.int32),
            pltpu.VMEM((_C, D), jnp.float32),
            pltpu.VMEM((_C, D), jnp.float32),
        ],
    )
    def gather_k(x_hbm, row_hbm, col_hbm, xr_hbm, xc_hbm,
                 rowv, colv, xrow, xcrow):
        cid = lax.axis_index("c")
        sid = lax.axis_index("s")
        wid = sid * _NC + cid
        base = wid * RBW
        pltpu.sync_copy(row_hbm.at[pl.ds(base, RBW)], rowv)
        pltpu.sync_copy(col_hbm.at[pl.ds(base, RBW)], colv)

        def body(j, _):
            g = base + j
            pltpu.sync_copy(x_hbm.at[rowv.at[j]], xrow)
            pltpu.sync_copy(x_hbm.at[colv.at[j]], xcrow)
            pltpu.sync_copy(xrow, xr_hbm.at[pl.ds(g * _C, _C)])
            pltpu.sync_copy(xcrow, xc_hbm.at[pl.ds(g * _C, _C)])
            return 0

        lax.fori_loop(0, RBW, body, 0)

    return gather_k


def _make_scatter(NP, D, EP):
    R = EP // _C
    RT = R // _NS
    NZ = NP // _NS
    mesh = plsc.VectorSubcoreMesh(core_axis_name="c", subcore_axis_name="s",
                                  num_cores=_NC, num_subcores=_NS)

    @functools.partial(
        pl.kernel,
        out_type=[jax.ShapeDtypeStruct((NP, D), jnp.float32),
                  jax.ShapeDtypeStruct((NP, D), jnp.float32)],
        mesh=mesh,
        scratch_types=[
            pltpu.VMEM((RT, _C), jnp.int32),
            pltpu.VMEM((_C, D), jnp.float32),
            pltpu.VMEM_SHARED((NP, D), jnp.float32),
        ],
    )
    def scatter_k(colr_hbm, exA_hbm, exB_hbm, z_hbm, S0_hbm, S1_hbm,
                  colv, rowsv, shared):
        cid = lax.axis_index("c")
        sid = lax.axis_index("s")
        pltpu.sync_copy(z_hbm.at[pl.ds(sid * NZ, NZ)],
                        shared.at[pl.ds(sid * NZ, NZ)])
        base = sid * RT
        pltpu.sync_copy(colr_hbm.at[pl.ds(base, RT)], colv)
        plsc.subcore_barrier()

        def run(src_hbm):
            def body(j, _):
                g = base + j
                pltpu.sync_copy(src_hbm.at[pl.ds(g * _C, _C)], rowsv)
                pltpu.sync_copy(rowsv, shared.at[colv.at[j]], add=True)
                return 0

            lax.fori_loop(0, RT, body, 0)

        @pl.when(cid == 0)
        def _():
            run(exA_hbm)

        @pl.when(cid == 1)
        def _():
            run(exB_hbm)

        plsc.subcore_barrier()

        @pl.when(cid == 0)
        def _():
            pltpu.sync_copy(shared.at[pl.ds(sid * NZ, NZ)],
                            S0_hbm.at[pl.ds(sid * NZ, NZ)])

        @pl.when(cid == 1)
        def _():
            pltpu.sync_copy(shared.at[pl.ds(sid * NZ, NZ)],
                            S1_hbm.at[pl.ds(sid * NZ, NZ)])

    return scatter_k


def kernel(x, edge_index, edge_attr, W1, b1, ln1_g, ln1_b, le_W, le_b, t,
           Wa, ba, bn_g, bn_b, Wb, bb, scale, nn_g, nn_b):
    N, D = x.shape
    E, DE = edge_attr.shape
    DH = Wa.shape[1]
    NW = _NC * _NS

    RBW = -(-E // (_C * NW))
    RBW = ((RBW + 15) // 16) * 16
    EP = NW * RBW * _C
    PAD = EP - E
    RBWh = RBW // 2
    EPh = EP // 2
    RH = EPh // _C
    NP = ((N + _C) // _C) * _C

    row = edge_index[0]
    col = edge_index[1]
    row_p = jnp.concatenate([row, jnp.zeros((PAD,), jnp.int32)]).reshape(-1, _C)
    colg_p = jnp.concatenate([col, jnp.zeros((PAD,), jnp.int32)]).reshape(-1, _C)
    cols_p = jnp.concatenate([col, jnp.full((PAD,), N, jnp.int32)]).reshape(-1, _C)
    ea_p = jnp.concatenate([edge_attr, jnp.zeros((PAD, DE), jnp.float32)])
    W1a = W1[0:D]
    W1b = W1[D:2 * D]
    W1c = W1[2 * D:]
    zeros_np = jnp.zeros((NP, D), jnp.float32)

    B = 1280
    smem = pltpu.SMEM

    def edge_pass(xr, xc, ea_h):
        return pl.pallas_call(
            _edge_kernel,
            grid=(EPh // B,),
            in_specs=[
                pl.BlockSpec((B, D), lambda b: (b, 0)),
                pl.BlockSpec((B, D), lambda b: (b, 0)),
                pl.BlockSpec((B, DE), lambda b: (b, 0)),
                pl.BlockSpec((D, DE), lambda b: (0, 0)),
                pl.BlockSpec((D, DE), lambda b: (0, 0)),
                pl.BlockSpec((DE, DE), lambda b: (0, 0)),
                pl.BlockSpec((1, DE), lambda b: (0, 0)),
                pl.BlockSpec((1, DE), lambda b: (0, 0)),
                pl.BlockSpec((1, DE), lambda b: (0, 0)),
                pl.BlockSpec((DE, D), lambda b: (0, 0)),
                pl.BlockSpec((1, D), lambda b: (0, 0)),
                pl.BlockSpec((1,), lambda b: (0,), memory_space=smem),
            ],
            out_specs=[
                pl.BlockSpec((B, DE), lambda b: (b, 0)),
                pl.BlockSpec((B, D), lambda b: (b, 0)),
                pl.BlockSpec((B, D), lambda b: (b, 0)),
            ],
            out_shape=[
                jax.ShapeDtypeStruct((EPh, DE), jnp.float32),
                jax.ShapeDtypeStruct((EPh, D), jnp.float32),
                jax.ShapeDtypeStruct((EPh, D), jnp.float32),
            ],
        )(xr, xc, ea_h, W1a, W1b, W1c, b1.reshape(1, DE),
          ln1_g.reshape(1, DE), ln1_b.reshape(1, DE), le_W,
          le_b.reshape(1, D), t.reshape(1))

    gather = _make_gather(N, D, EPh, RBWh)
    scatter = _make_scatter(NP, D, EPh)

    xr0, xc0 = gather(x, row_p[:RH], colg_p[:RH])
    xr1, xc1 = gather(x, row_p[RH:], colg_p[RH:])
    ean0, exA0, exB0 = edge_pass(xr0, xc0, ea_p[:EPh])
    S0a, S1a = scatter(cols_p[:RH], exA0, exB0, zeros_np)
    ean1, exA1, exB1 = edge_pass(xr1, xc1, ea_p[EPh:])
    S0b, S1b = scatter(cols_p[RH:], exA1, exB1, zeros_np)
    ean_p = jnp.concatenate([ean0, ean1], axis=0)

    NBn = 80
    x_out = pl.pallas_call(
        _node_kernel,
        grid=(N // NBn,),
        in_specs=[
            pl.BlockSpec((NBn, D), lambda b: (b, 0)),
            pl.BlockSpec((NBn, D), lambda b: (b, 0)),
            pl.BlockSpec((NBn, D), lambda b: (b, 0)),
            pl.BlockSpec((NBn, D), lambda b: (b, 0)),
            pl.BlockSpec((NBn, D), lambda b: (b, 0)),
            pl.BlockSpec((D, DH), lambda b: (0, 0)),
            pl.BlockSpec((1, DH), lambda b: (0, 0)),
            pl.BlockSpec((1, DH), lambda b: (0, 0)),
            pl.BlockSpec((1, DH), lambda b: (0, 0)),
            pl.BlockSpec((DH, D), lambda b: (0, 0)),
            pl.BlockSpec((1, D), lambda b: (0, 0)),
            pl.BlockSpec((1,), lambda b: (0,), memory_space=smem),
            pl.BlockSpec((1, D), lambda b: (0, 0)),
            pl.BlockSpec((1, D), lambda b: (0, 0)),
        ],
        out_specs=pl.BlockSpec((NBn, D), lambda b: (b, 0)),
        out_shape=jax.ShapeDtypeStruct((N, D), jnp.float32),
    )(x, S0a, S0b, S1a, S1b, Wa, ba.reshape(1, DH), bn_g.reshape(1, DH),
      bn_b.reshape(1, DH), Wb, bb.reshape(1, D), scale.reshape(1),
      nn_g.reshape(1, D), nn_b.reshape(1, D))

    return (x_out, ean_p[:E])

# --- scband reference (transcript-rebuilt; emitter-appended) ---
"""Pipeline reference for scband-graph-interaction-layer-89584427860492 (READ-ONLY COPY).

The authoritative reference and input builder live on the scoring server;
editing this copy changes nothing except your own understanding.
"""

import jax, jax.numpy as jnp
import numpy as np

N = 10000
E = 320000
D = 128
DE = 16
DH = 2 * D


def _layer_norm(h, g, b, eps=1e-5):
    mu = jnp.mean(h, axis=-1, keepdims=True)
    var = jnp.var(h, axis=-1, keepdims=True)
    return (h - mu) / jnp.sqrt(var + eps) * g + b


def setup_inputs(seed: int = 0):
    key = jax.random.key(seed)
    ks = jax.random.split(key, 12)
    x = jax.random.normal(ks[0], (N, D), dtype=jnp.float32)
    edge_index = jax.random.randint(ks[1], (2, E), 0, N, dtype=jnp.int32)
    edge_attr = jax.random.normal(ks[2], (E, DE), dtype=jnp.float32)
    # edge_mlp: Linear(2*D+DE -> DE), ReLU, LayerNorm(DE)
    W1 = jax.random.normal(ks[3], (2 * D + DE, DE), dtype=jnp.float32) * 0.05
    b1 = jnp.zeros((DE,), jnp.float32)
    ln1_g = jnp.ones((DE,), jnp.float32)
    ln1_b = jnp.zeros((DE,), jnp.float32)
    # GENConv: lin_edge(DE -> D), learned temperature t, MLP [D -> 2D -> D] with eval-mode BatchNorm
    le_W = jax.random.normal(ks[4], (DE, D), dtype=jnp.float32) * 0.1
    le_b = jnp.zeros((D,), jnp.float32)
    t = jnp.array(1.0, jnp.float32)
    Wa = jax.random.normal(ks[5], (D, DH), dtype=jnp.float32) * 0.05
    ba = jnp.zeros((DH,), jnp.float32)
    bn_g = jnp.ones((DH,), jnp.float32)
    bn_b = jnp.zeros((DH,), jnp.float32)
    Wb = jax.random.normal(ks[6], (DH, D), dtype=jnp.float32) * 0.05
    bb = jnp.zeros((D,), jnp.float32)
    # MessageNorm learned scale
    scale = jnp.array(1.0, jnp.float32)
    # node LayerNorm
    nn_g = jnp.ones((D,), jnp.float32)
    nn_b = jnp.zeros((D,), jnp.float32)
    return {"x": x, "edge_index": edge_index, "edge_attr": edge_attr,
            "W1": W1, "b1": b1, "ln1_g": ln1_g, "ln1_b": ln1_b,
            "le_W": le_W, "le_b": le_b, "t": t,
            "Wa": Wa, "ba": ba, "bn_g": bn_g, "bn_b": bn_b,
            "Wb": Wb, "bb": bb, "scale": scale, "nn_g": nn_g, "nn_b": nn_b}


def reference(x, edge_index, edge_attr, W1, b1, ln1_g, ln1_b, le_W, le_b, t,
              Wa, ba, bn_g, bn_b, Wb, bb, scale, nn_g, nn_b):
    row = edge_index[0]
    col = edge_index[1]
    # edge update MLP with residual
    edge_input = jnp.concatenate([x[row], x[col], edge_attr], axis=-1)
    h = edge_input @ W1 + b1
    h = jnp.maximum(h, 0.0)
    h = _layer_norm(h, ln1_g, ln1_b)
    edge_attr_new = h + edge_attr
    # GENConv: project edge features, message = relu(x_j + e) + eps
    e = edge_attr_new @ le_W + le_b
    msg = jnp.maximum(x[row] + e, 0.0) + 1e-7
    # softmax aggregation over incoming edges per destination node, temperature t
    logits = msg * t
    mmax = jax.ops.segment_max(logits, col, num_segments=N)
    mmax = jnp.where(jnp.isfinite(mmax), mmax, 0.0)
    ex = jnp.exp(logits - mmax[col])
    denom = jax.ops.segment_sum(ex, col, num_segments=N)
    alpha = ex / (denom[col] + 1e-16)
    aggr = jax.ops.segment_sum(alpha * msg, col, num_segments=N)
    # GENConv output MLP on (x + aggr): Linear -> BatchNorm(eval) -> ReLU -> Linear
    h2 = x + aggr
    h2 = h2 @ Wa + ba
    h2 = (h2 / jnp.sqrt(1.0 + 1e-5)) * bn_g + bn_b  # eval BN, running mean 0 / var 1
    h2 = jnp.maximum(h2, 0.0)
    h2 = h2 @ Wb + bb
    # MessageNorm: l2-normalize message, rescale by ||x|| and learned scale
    msg_nrm = jnp.linalg.norm(h2, axis=-1, keepdims=True)
    h2n = h2 / jnp.maximum(msg_nrm, 1e-12)
    x_norm = jnp.linalg.norm(x, axis=-1, keepdims=True)
    h3 = h2n * x_norm * scale
    # residual + node LayerNorm (dropout_rate=0.0 -> identity)
    x_out = _layer_norm(x + h3, nn_g, nn_b)
    return (x_out, edge_attr_new)

if __name__ == "__main__":
    import jax
    _d = setup_inputs()
    print(jax.jit(kernel)(*tuple(_d.values())))

</pallas_src>

<mosaic_0001>
#map = affine_map<(d0, d1) -> (0, 0)>
module attributes {stable_mosaic.version = 14 : i64} {
  func.func @gather_k(%arg0: i32, %arg1: i32, %arg2: memref<10000x128xf32, #tpu.memory_space<hbm>>, %arg3: memref<1280x128xi32, #tpu.memory_space<hbm>>, %arg4: memref<1280x128xi32, #tpu.memory_space<hbm>>, %arg5: memref<163840x128xf32, #tpu.memory_space<hbm>>, %arg6: memref<163840x128xf32, #tpu.memory_space<hbm>>, %arg7: memref<40x128xi32, #tpu.memory_space<vmem>>, %arg8: memref<40x128xi32, #tpu.memory_space<vmem>>, %arg9: memref<128x128xf32, #tpu.memory_space<vmem>>, %arg10: memref<128x128xf32, #tpu.memory_space<vmem>>) attributes {dimension_semantics = [#tpu.dimension_semantics<core_parallel>, #tpu.dimension_semantics<subcore_parallel>], iteration_bounds = array<i64: 2, 16>, scalar_prefetch = 0 : i64, scratch_operands = 4 : i64, tpu.core_type = #tpu.core_type<sc_vector_subcore>, window_params = [{transform_indices = #map}, {transform_indices = #map}, {transform_indices = #map}, {transform_indices = #map}, {transform_indices = #map}]} {
    %mul3A = arith.constant 2 : i32
    %mul3A_0 = arith.muli %arg1, %mul3A : i32
    %add3A = arith.addi %mul3A_0, %arg0 : i32
    %mul3A_1 = arith.constant 40 : i32
    %mul3A_2 = arith.muli %add3A, %mul3A_1 : i32
    "tpu.region"() ({
      %run_scoped3A = tpu.sem_alloc : memref<!tpu.dma_semaphore, #tpu.memory_space<semaphore_mem>>
      %dma_start3A = arith.constant 0 : i32
      %dma_start3A_9 = tpu.memref_slice %arg3[%mul3A_2, %dma_start3A] : memref<1280x128xi32, #tpu.memory_space<hbm>> -> memref<40x128xi32, #tpu.memory_space<hbm>>
      %dma_start3A_10 = arith.constant 0 : i32
      %dma_start3A_11 = tpu.memref_slice %arg3[%mul3A_2, %dma_start3A_10] : memref<1280x128xi32, #tpu.memory_space<hbm>> -> memref<40x128xi32, #tpu.memory_space<hbm>>
      tpu.enqueue_dma source(%dma_start3A_11 : memref<40x128xi32, #tpu.memory_space<hbm>>) target(%arg7 : memref<40x128xi32, #tpu.memory_space<vmem>>) target_semaphore(%run_scoped3A : memref<!tpu.dma_semaphore, #tpu.memory_space<semaphore_mem>>)
      %dma_wait3A = arith.constant 0 : i32
      %dma_wait3A_12 = tpu.memref_slice %arg3[%mul3A_2, %dma_wait3A] : memref<1280x128xi32, #tpu.memory_space<hbm>> -> memref<40x128xi32, #tpu.memory_space<hbm>>
      %dma_wait3A_13 = arith.constant 0 : i32
      %dma_wait3A_14 = tpu.memref_slice %arg3[%mul3A_2, %dma_wait3A_13] : memref<1280x128xi32, #tpu.memory_space<hbm>> -> memref<40x128xi32, #tpu.memory_space<hbm>>
      tpu.wait_dma2 semaphore(%run_scoped3A : memref<!tpu.dma_semaphore, #tpu.memory_space<semaphore_mem>>) src(%dma_wait3A_14 : memref<40x128xi32, #tpu.memory_space<hbm>>) dst(%arg7 : memref<40x128xi32, #tpu.memory_space<vmem>>)
      tpu.yield
    }) : () -> ()
    "tpu.region"() ({
      %run_scoped3A = tpu.sem_alloc : memref<!tpu.dma_semaphore, #tpu.memory_space<semaphore_mem>>
      %dma_start3A = arith.constant 0 : i32
      %dma_start3A_9 = tpu.memref_slice %arg4[%mul3A_2, %dma_start3A] : memref<1280x128xi32, #tpu.memory_space<hbm>> -> memref<40x128xi32, #tpu.memory_space<hbm>>
      %dma_start3A_10 = arith.constant 0 : i32
      %dma_start3A_11 = tpu.memref_slice %arg4[%mul3A_2, %dma_start3A_10] : memref<1280x128xi32, #tpu.memory_space<hbm>> -> memref<40x128xi32, #tpu.memory_space<hbm>>
      tpu.enqueue_dma source(%dma_start3A_11 : memref<40x128xi32, #tpu.memory_space<hbm>>) target(%arg8 : memref<40x128xi32, #tpu.memory_space<vmem>>) target_semaphore(%run_scoped3A : memref<!tpu.dma_semaphore, #tpu.memory_space<semaphore_mem>>)
      %dma_wait3A = arith.constant 0 : i32
      %dma_wait3A_12 = tpu.memref_slice %arg4[%mul3A_2, %dma_wait3A] : memref<1280x128xi32, #tpu.memory_space<hbm>> -> memref<40x128xi32, #tpu.memory_space<hbm>>
      %dma_wait3A_13 = arith.constant 0 : i32
      %dma_wait3A_14 = tpu.memref_slice %arg4[%mul3A_2, %dma_wait3A_13] : memref<1280x128xi32, #tpu.memory_space<hbm>> -> memref<40x128xi32, #tpu.memory_space<hbm>>
      tpu.wait_dma2 semaphore(%run_scoped3A : memref<!tpu.dma_semaphore, #tpu.memory_space<semaphore_mem>>) src(%dma_wait3A_14 : memref<40x128xi32, #tpu.memory_space<hbm>>) dst(%arg8 : memref<40x128xi32, #tpu.memory_space<vmem>>)
      tpu.yield
    }) : () -> ()
    %scan3A = arith.constant 0 : i32
    %scan3A_3 = arith.constant 0 : i32
    %scan3A_4 = arith.constant 40 : i32
    %scan3A_5 = arith.addi %scan3A_3, %scan3A_4 : i32
    %scan3A_6 = arith.constant 1 : i32
    %scan3A_7 = scf.for %scan3A_9 = %scan3A_3 to %scan3A_5 step %scan3A_6 iter_args(%scan3A_10 = %scan3A) -> (i32)  : i32 {
      %add3A_11 = arith.addi %mul3A_2, %scan3A_9 : i32
      "tpu.region"() ({
        %run_scoped3A = tpu.sem_alloc : memref<!tpu.dma_semaphore, #tpu.memory_space<semaphore_mem>>
        %dma_start3A = arith.constant 0 : i32
        %dma_start3A_17 = tpu.memref_slice %arg7[%scan3A_9, %dma_start3A] : memref<40x128xi32, #tpu.memory_space<vmem>> -> memref<1x128xi32, #tpu.memory_space<vmem>>
        %dma_start3A_18 = tpu.memref_squeeze %dma_start3A_17 : memref<1x128xi32, #tpu.memory_space<vmem>> -> memref<128xi32, #tpu.memory_space<vmem>>
        %dma_start3A_19 = arith.constant 0 : i32
        %dma_start3A_20 = arith.constant 0 : i32
        %dma_start3A_21 = tpu.memref_slice %arg2[%dma_start3A_19, %dma_start3A_20] : memref<10000x128xf32, #tpu.memory_space<hbm>> -> memref<10000x128xf32, #tpu.memory_space<hbm>>
        tpu.enqueue_indirect_dma source(%dma_start3A_21 : memref<10000x128xf32, #tpu.memory_space<hbm>>) target(%arg9 : memref<128x128xf32, #tpu.memory_space<vmem>>) offsets(%dma_start3A_18 : memref<128xi32, #tpu.memory_space<vmem>>) semaphore(%run_scoped3A : memref<!tpu.dma_semaphore, #tpu.memory_space<semaphore_mem>>)
        %dma_wait3A = arith.constant 0 : i32
        %dma_wait3A_22 = tpu.memref_slice %arg7[%scan3A_9, %dma_wait3A] : memref<40x128xi32, #tpu.memory_space<vmem>> -> memref<1x128xi32, #tpu.memory_space<vmem>>
        %dma_wait3A_23 = tpu.memref_squeeze %dma_wait3A_22 : memref<1x128xi32, #tpu.memory_space<vmem>> -> memref<128xi32, #tpu.memory_space<vmem>>
        %dma_wait3A_24 = arith.constant 0 : i32
        %dma_wait3A_25 = arith.constant 0 : i32
        %dma_wait3A_26 = tpu.memref_slice %arg2[%dma_wait3A_24, %dma_wait3A_25] : memref<10000x128xf32, #tpu.memory_space<hbm>> -> memref<10000x128xf32, #tpu.memory_space<hbm>>
        tpu.wait_indirect_dma semaphore(%run_scoped3A : memref<!tpu.dma_semaphore, #tpu.memory_space<semaphore_mem>>) src(%dma_wait3A_26 : memref<10000x128xf32, #tpu.memory_space<hbm>>) dst(%arg9 : memref<128x128xf32, #tpu.memory_space<vmem>>)
        tpu.yield
      }) : () -> ()
      "tpu.region"() ({
        %run_scoped3A = tpu.sem_alloc : memref<!tpu.dma_semaphore, #tpu.memory_space<semaphore_mem>>
        %dma_start3A = arith.constant 0 : i32
        %dma_start3A_17 = tpu.memref_slice %arg8[%scan3A_9, %dma_start3A] : memref<40x128xi32, #tpu.memory_space<vmem>> -> memref<1x128xi32, #tpu.memory_space<vmem>>
        %dma_start3A_18 = tpu.memref_squeeze %dma_start3A_17 : memref<1x128xi32, #tpu.memory_space<vmem>> -> memref<128xi32, #tpu.memory_space<vmem>>
        %dma_start3A_19 = arith.constant 0 : i32
        %dma_start3A_20 = arith.constant 0 : i32
        %dma_start3A_21 = tpu.memref_slice %arg2[%dma_start3A_19, %dma_start3A_20] : memref<10000x128xf32, #tpu.memory_space<hbm>> -> memref<10000x128xf32, #tpu.memory_space<hbm>>
        tpu.enqueue_indirect_dma source(%dma_start3A_21 : memref<10000x128xf32, #tpu.memory_space<hbm>>) target(%arg10 : memref<128x128xf32, #tpu.memory_space<vmem>>) offsets(%dma_start3A_18 : memref<128xi32, #tpu.memory_space<vmem>>) semaphore(%run_scoped3A : memref<!tpu.dma_semaphore, #tpu.memory_space<semaphore_mem>>)
        %dma_wait3A = arith.constant 0 : i32
        %dma_wait3A_22 = tpu.memref_slice %arg8[%scan3A_9, %dma_wait3A] : memref<40x128xi32, #tpu.memory_space<vmem>> -> memref<1x128xi32, #tpu.memory_space<vmem>>
        %dma_wait3A_23 = tpu.memref_squeeze %dma_wait3A_22 : memref<1x128xi32, #tpu.memory_space<vmem>> -> memref<128xi32, #tpu.memory_space<vmem>>
        %dma_wait3A_24 = arith.constant 0 : i32
        %dma_wait3A_25 = arith.constant 0 : i32
        %dma_wait3A_26 = tpu.memref_slice %arg2[%dma_wait3A_24, %dma_wait3A_25] : memref<10000x128xf32, #tpu.memory_space<hbm>> -> memref<10000x128xf32, #tpu.memory_space<hbm>>
        tpu.wait_indirect_dma semaphore(%run_scoped3A : memref<!tpu.dma_semaphore, #tpu.memory_space<semaphore_mem>>) src(%dma_wait3A_26 : memref<10000x128xf32, #tpu.memory_space<hbm>>) dst(%arg10 : memref<128x128xf32, #tpu.memory_space<vmem>>)
        tpu.yield
      }) : () -> ()
      %mul3A_12 = arith.constant 128 : i32
      %mul3A_13 = arith.muli %add3A_11, %mul3A_12 : i32
      "tpu.region"() ({
        %run_scoped3A = tpu.sem_alloc : memref<!tpu.dma_semaphore, #tpu.memory_space<semaphore_mem>>
        %dma_start3A = arith.constant 0 : i32
        %dma_start3A_17 = tpu.memref_slice %arg5[%mul3A_13, %dma_start3A] : memref<163840x128xf32, #tpu.memory_space<hbm>> -> memref<128x128xf32, #tpu.memory_space<hbm>>
        %dma_start3A_18 = arith.constant 0 : i32
        %dma_start3A_19 = tpu.memref_slice %arg5[%mul3A_13, %dma_start3A_18] : memref<163840x128xf32, #tpu.memory_space<hbm>> -> memref<128x128xf32, #tpu.memory_space<hbm>>
        tpu.enqueue_dma source(%arg9 : memref<128x128xf32, #tpu.memory_space<vmem>>) target(%dma_start3A_19 : memref<128x128xf32, #tpu.memory_space<hbm>>) target_semaphore(%run_scoped3A : memref<!tpu.dma_semaphore, #tpu.memory_space<semaphore_mem>>)
        %dma_wait3A = arith.constant 0 : i32
        %dma_wait3A_20 = tpu.memref_slice %arg5[%mul3A_13, %dma_wait3A] : memref<163840x128xf32, #tpu.memory_space<hbm>> -> memref<128x128xf32, #tpu.memory_space<hbm>>
        %dma_wait3A_21 = arith.constant 0 : i32
        %dma_wait3A_22 = tpu.memref_slice %arg5[%mul3A_13, %dma_wait3A_21] : memref<163840x128xf32, #tpu.memory_space<hbm>> -> memref<128x128xf32, #tpu.memory_space<hbm>>
        tpu.wait_dma2 semaphore(%run_scoped3A : memref<!tpu.dma_semaphore, #tpu.memory_space<semaphore_mem>>) src(%arg9 : memref<128x128xf32, #tpu.memory_space<vmem>>) dst(%dma_wait3A_22 : memref<128x128xf32, #tpu.memory_space<hbm>>)
        tpu.yield
      }) : () -> ()
      %mul3A_14 = arith.constant 128 : i32
      %mul3A_15 = arith.muli %add3A_11, %mul3A_14 : i32
      "tpu.region"() ({
        %run_scoped3A = tpu.sem_alloc : memref<!tpu.dma_semaphore, #tpu.memory_space<semaphore_mem>>
        %dma_start3A = arith.constant 0 : i32
        %dma_start3A_17 = tpu.memref_slice %arg6[%mul3A_15, %dma_start3A] : memref<163840x128xf32, #tpu.memory_space<hbm>> -> memref<128x128xf32, #tpu.memory_space<hbm>>
        %dma_start3A_18 = arith.constant 0 : i32
        %dma_start3A_19 = tpu.memref_slice %arg6[%mul3A_15, %dma_start3A_18] : memref<163840x128xf32, #tpu.memory_space<hbm>> -> memref<128x128xf32, #tpu.memory_space<hbm>>
        tpu.enqueue_dma source(%arg10 : memref<128x128xf32, #tpu.memory_space<vmem>>) target(%dma_start3A_19 : memref<128x128xf32, #tpu.memory_space<hbm>>) target_semaphore(%run_scoped3A : memref<!tpu.dma_semaphore, #tpu.memory_space<semaphore_mem>>)
        %dma_wait3A = arith.constant 0 : i32
        %dma_wait3A_20 = tpu.memref_slice %arg6[%mul3A_15, %dma_wait3A] : memref<163840x128xf32, #tpu.memory_space<hbm>> -> memref<128x128xf32, #tpu.memory_space<hbm>>
        %dma_wait3A_21 = arith.constant 0 : i32
        %dma_wait3A_22 = tpu.memref_slice %arg6[%mul3A_15, %dma_wait3A_21] : memref<163840x128xf32, #tpu.memory_space<hbm>> -> memref<128x128xf32, #tpu.memory_space<hbm>>
        tpu.wait_dma2 semaphore(%run_scoped3A : memref<!tpu.dma_semaphore, #tpu.memory_space<semaphore_mem>>) src(%arg10 : memref<128x128xf32, #tpu.memory_space<vmem>>) dst(%dma_wait3A_22 : memref<128x128xf32, #tpu.memory_space<hbm>>)
        tpu.yield
      }) : () -> ()
      %scan3A_16 = arith.constant 0 : i32
      scf.yield %scan3A_16 : i32
    }
    %scan3A_8 = arith.constant 40 : i32
    return
  }
}

#map = affine_map<(d0, d1) -> (0, 0)>
module attributes {stable_mosaic.version = 14 : i64} {
  func.func @gather_k(%arg0: i32, %arg1: i32, %arg2: memref<10000x128xf32, #tpu.memory_space<hbm>>, %arg3: memref<1280x128xi32, #tpu.memory_space<hbm>>, %arg4: memref<1280x128xi32, #tpu.memory_space<hbm>>, %arg5: memref<163840x128xf32, #tpu.memory_space<hbm>>, %arg6: memref<163840x128xf32, #tpu.memory_space<hbm>>, %arg7: memref<40x128xi32, #tpu.memory_space<vmem>>, %arg8: memref<40x128xi32, #tpu.memory_space<vmem>>, %arg9: memref<128x128xf32, #tpu.memory_space<vmem>>, %arg10: memref<128x128xf32, #tpu.memory_space<vmem>>) attributes {dimension_semantics = [#tpu.dimension_semantics<core_parallel>, #tpu.dimension_semantics<subcore_parallel>], iteration_bounds = array<i64: 2, 16>, scalar_prefetch = 0 : i64, scratch_operands = 4 : i64, tpu.core_type = #tpu.core_type<sc_vector_subcore>, window_params = [{transform_indices = #map}, {transform_indices = #map}, {transform_indices = #map}, {transform_indices = #map}, {transform_indices = #map}]} {
    %mul3A = arith.constant 2 : i32
    %mul3A_0 = arith.muli %arg1, %mul3A : i32
    %add3A = arith.addi %mul3A_0, %arg0 : i32
    %mul3A_1 = arith.constant 40 : i32
    %mul3A_2 = arith.muli %add3A, %mul3A_1 : i32
    "tpu.region"() ({
      %run_scoped3A = tpu.sem_alloc : memref<!tpu.dma_semaphore, #tpu.memory_space<semaphore_mem>>
      %dma_start3A = arith.constant 0 : i32
      %dma_start3A_9 = tpu.memref_slice %arg3[%mul3A_2, %dma_start3A] : memref<1280x128xi32, #tpu.memory_space<hbm>> -> memref<40x128xi32, #tpu.memory_space<hbm>>
      %dma_start3A_10 = arith.constant 0 : i32
      %dma_start3A_11 = tpu.memref_slice %arg3[%mul3A_2, %dma_start3A_10] : memref<1280x128xi32, #tpu.memory_space<hbm>> -> memref<40x128xi32, #tpu.memory_space<hbm>>
      tpu.enqueue_dma source(%dma_start3A_11 : memref<40x128xi32, #tpu.memory_space<hbm>>) target(%arg7 : memref<40x128xi32, #tpu.memory_space<vmem>>) target_semaphore(%run_scoped3A : memref<!tpu.dma_semaphore, #tpu.memory_space<semaphore_mem>>)
      %dma_wait3A = arith.constant 0 : i32
      %dma_wait3A_12 = tpu.memref_slice %arg3[%mul3A_2, %dma_wait3A] : memref<1280x128xi32, #tpu.memory_space<hbm>> -> memref<40x128xi32, #tpu.memory_space<hbm>>
      %dma_wait3A_13 = arith.constant 0 : i32
      %dma_wait3A_14 = tpu.memref_slice %arg3[%mul3A_2, %dma_wait3A_13] : memref<1280x128xi32, #tpu.memory_space<hbm>> -> memref<40x128xi32, #tpu.memory_space<hbm>>
      tpu.wait_dma2 semaphore(%run_scoped3A : memref<!tpu.dma_semaphore, #tpu.memory_space<semaphore_mem>>) src(%dma_wait3A_14 : memref<40x128xi32, #tpu.memory_space<hbm>>) dst(%arg7 : memref<40x128xi32, #tpu.memory_space<vmem>>)
      tpu.yield
    }) : () -> ()
    "tpu.region"() ({
      %run_scoped3A = tpu.sem_alloc : memref<!tpu.dma_semaphore, #tpu.memory_space<semaphore_mem>>
      %dma_start3A = arith.constant 0 : i32
      %dma_start3A_9 = tpu.memref_slice %arg4[%mul3A_2, %dma_start3A] : memref<1280x128xi32, #tpu.memory_space<hbm>> -> memref<40x128xi32, #tpu.memory_space<hbm>>
      %dma_start3A_10 = arith.constant 0 : i32
      %dma_start3A_11 = tpu.memref_slice %arg4[%mul3A_2, %dma_start3A_10] : memref<1280x128xi32, #tpu.memory_space<hbm>> -> memref<40x128xi32, #tpu.memory_space<hbm>>
      tpu.enqueue_dma source(%dma_start3A_11 : memref<40x128xi32, #tpu.memory_space<hbm>>) target(%arg8 : memref<40x128xi32, #tpu.memory_space<vmem>>) target_semaphore(%run_scoped3A : memref<!tpu.dma_semaphore, #tpu.memory_space<semaphore_mem>>)
      %dma_wait3A = arith.constant 0 : i32
      %dma_wait3A_12 = tpu.memref_slice %arg4[%mul3A_2, %dma_wait3A] : memref<1280x128xi32, #tpu.memory_space<hbm>> -> memref<40x128xi32, #tpu.memory_space<hbm>>
      %dma_wait3A_13 = arith.constant 0 : i32
      %dma_wait3A_14 = tpu.memref_slice %arg4[%mul3A_2, %dma_wait3A_13] : memref<1280x128xi32, #tpu.memory_space<hbm>> -> memref<40x128xi32, #tpu.memory_space<hbm>>
      tpu.wait_dma2 semaphore(%run_scoped3A : memref<!tpu.dma_semaphore, #tpu.memory_space<semaphore_mem>>) src(%dma_wait3A_14 : memref<40x128xi32, #tpu.memory_space<hbm>>) dst(%arg8 : memref<40x128xi32, #tpu.memory_space<vmem>>)
      tpu.yield
    }) : () -> ()
    %scan3A = arith.constant 0 : i32
    %scan3A_3 = arith.constant 0 : i32
    %scan3A_4 = arith.constant 40 : i32
    %scan3A_5 = arith.addi %scan3A_3, %scan3A_4 : i32
    %scan3A_6 = arith.constant 1 : i32
    %scan3A_7 = scf.for %scan3A_9 = %scan3A_3 to %scan3A_5 step %scan3A_6 iter_args(%scan3A_10 = %scan3A) -> (i32)  : i32 {
      %add3A_11 = arith.addi %mul3A_2, %scan3A_9 : i32
      "tpu.region"() ({
        %run_scoped3A = tpu.sem_alloc : memref<!tpu.dma_semaphore, #tpu.memory_space<semaphore_mem>>
        %dma_start3A = arith.constant 0 : i32
        %dma_start3A_17 = tpu.memref_slice %arg7[%scan3A_9, %dma_start3A] : memref<40x128xi32, #tpu.memory_space<vmem>> -> memref<1x128xi32, #tpu.memory_space<vmem>>
        %dma_start3A_18 = tpu.memref_squeeze %dma_start3A_17 : memref<1x128xi32, #tpu.memory_space<vmem>> -> memref<128xi32, #tpu.memory_space<vmem>>
        %dma_start3A_19 = arith.constant 0 : i32
        %dma_start3A_20 = arith.constant 0 : i32
        %dma_start3A_21 = tpu.memref_slice %arg2[%dma_start3A_19, %dma_start3A_20] : memref<10000x128xf32, #tpu.memory_space<hbm>> -> memref<10000x128xf32, #tpu.memory_space<hbm>>
        tpu.enqueue_indirect_dma source(%dma_start3A_21 : memref<10000x128xf32, #tpu.memory_space<hbm>>) target(%arg9 : memref<128x128xf32, #tpu.memory_space<vmem>>) offsets(%dma_start3A_18 : memref<128xi32, #tpu.memory_space<vmem>>) semaphore(%run_scoped3A : memref<!tpu.dma_semaphore, #tpu.memory_space<semaphore_mem>>)
        %dma_wait3A = arith.constant 0 : i32
        %dma_wait3A_22 = tpu.memref_slice %arg7[%scan3A_9, %dma_wait3A] : memref<40x128xi32, #tpu.memory_space<vmem>> -> memref<1x128xi32, #tpu.memory_space<vmem>>
        %dma_wait3A_23 = tpu.memref_squeeze %dma_wait3A_22 : memref<1x128xi32, #tpu.memory_space<vmem>> -> memref<128xi32, #tpu.memory_space<vmem>>
        %dma_wait3A_24 = arith.constant 0 : i32
        %dma_wait3A_25 = arith.constant 0 : i32
        %dma_wait3A_26 = tpu.memref_slice %arg2[%dma_wait3A_24, %dma_wait3A_25] : memref<10000x128xf32, #tpu.memory_space<hbm>> -> memref<10000x128xf32, #tpu.memory_space<hbm>>
        tpu.wait_indirect_dma semaphore(%run_scoped3A : memref<!tpu.dma_semaphore, #tpu.memory_space<semaphore_mem>>) src(%dma_wait3A_26 : memref<10000x128xf32, #tpu.memory_space<hbm>>) dst(%arg9 : memref<128x128xf32, #tpu.memory_space<vmem>>)
        tpu.yield
      }) : () -> ()
      "tpu.region"() ({
        %run_scoped3A = tpu.sem_alloc : memref<!tpu.dma_semaphore, #tpu.memory_space<semaphore_mem>>
        %dma_start3A = arith.constant 0 : i32
        %dma_start3A_17 = tpu.memref_slice %arg8[%scan3A_9, %dma_start3A] : memref<40x128xi32, #tpu.memory_space<vmem>> -> memref<1x128xi32, #tpu.memory_space<vmem>>
        %dma_start3A_18 = tpu.memref_squeeze %dma_start3A_17 : memref<1x128xi32, #tpu.memory_space<vmem>> -> memref<128xi32, #tpu.memory_space<vmem>>
        %dma_start3A_19 = arith.constant 0 : i32
        %dma_start3A_20 = arith.constant 0 : i32
        %dma_start3A_21 = tpu.memref_slice %arg2[%dma_start3A_19, %dma_start3A_20] : memref<10000x128xf32, #tpu.memory_space<hbm>> -> memref<10000x128xf32, #tpu.memory_space<hbm>>
        tpu.enqueue_indirect_dma source(%dma_start3A_21 : memref<10000x128xf32, #tpu.memory_space<hbm>>) target(%arg10 : memref<128x128xf32, #tpu.memory_space<vmem>>) offsets(%dma_start3A_18 : memref<128xi32, #tpu.memory_space<vmem>>) semaphore(%run_scoped3A : memref<!tpu.dma_semaphore, #tpu.memory_space<semaphore_mem>>)
        %dma_wait3A = arith.constant 0 : i32
        %dma_wait3A_22 = tpu.memref_slice %arg8[%scan3A_9, %dma_wait3A] : memref<40x128xi32, #tpu.memory_space<vmem>> -> memref<1x128xi32, #tpu.memory_space<vmem>>
        %dma_wait3A_23 = tpu.memref_squeeze %dma_wait3A_22 : memref<1x128xi32, #tpu.memory_space<vmem>> -> memref<128xi32, #tpu.memory_space<vmem>>
        %dma_wait3A_24 = arith.constant 0 : i32
        %dma_wait3A_25 = arith.constant 0 : i32
        %dma_wait3A_26 = tpu.memref_slice %arg2[%dma_wait3A_24, %dma_wait3A_25] : memref<10000x128xf32, #tpu.memory_space<hbm>> -> memref<10000x128xf32, #tpu.memory_space<hbm>>
        tpu.wait_indirect_dma semaphore(%run_scoped3A : memref<!tpu.dma_semaphore, #tpu.memory_space<semaphore_mem>>) src(%dma_wait3A_26 : memref<10000x128xf32, #tpu.memory_space<hbm>>) dst(%arg10 : memref<128x128xf32, #tpu.memory_space<vmem>>)
        tpu.yield
      }) : () -> ()
      %mul3A_12 = arith.constant 128 : i32
      %mul3A_13 = arith.muli %add3A_11, %mul3A_12 : i32
      "tpu.region"() ({
        %run_scoped3A = tpu.sem_alloc : memref<!tpu.dma_semaphore, #tpu.memory_space<semaphore_mem>>
        %dma_start3A = arith.constant 0 : i32
        %dma_start3A_17 = tpu.memref_slice %arg5[%mul3A_13, %dma_start3A] : memref<163840x128xf32, #tpu.memory_space<hbm>> -> memref<128x128xf32, #tpu.memory_space<hbm>>
        %dma_start3A_18 = arith.constant 0 : i32
        %dma_start3A_19 = tpu.memref_slice %arg5[%mul3A_13, %dma_start3A_18] : memref<163840x128xf32, #tpu.memory_space<hbm>> -> memref<128x128xf32, #tpu.memory_space<hbm>>
        tpu.enqueue_dma source(%arg9 : memref<128x128xf32, #tpu.memory_space<vmem>>) target(%dma_start3A_19 : memref<128x128xf32, #tpu.memory_space<hbm>>) target_semaphore(%run_scoped3A : memref<!tpu.dma_semaphore, #tpu.memory_space<semaphore_mem>>)
        %dma_wait3A = arith.constant 0 : i32
        %dma_wait3A_20 = tpu.memref_slice %arg5[%mul3A_13, %dma_wait3A] : memref<163840x128xf32, #tpu.memory_space<hbm>> -> memref<128x128xf32, #tpu.memory_space<hbm>>
        %dma_wait3A_21 = arith.constant 0 : i32
        %dma_wait3A_22 = tpu.memref_slice %arg5[%mul3A_13, %dma_wait3A_21] : memref<163840x128xf32, #tpu.memory_space<hbm>> -> memref<128x128xf32, #tpu.memory_space<hbm>>
        tpu.wait_dma2 semaphore(%run_scoped3A : memref<!tpu.dma_semaphore, #tpu.memory_space<semaphore_mem>>) src(%arg9 : memref<128x128xf32, #tpu.memory_space<vmem>>) dst(%dma_wait3A_22 : memref<128x128xf32, #tpu.memory_space<hbm>>)
        tpu.yield
      }) : () -> ()
      %mul3A_14 = arith.constant 128 : i32
      %mul3A_15 = arith.muli %add3A_11, %mul3A_14 : i32
      "tpu.region"() ({
        %run_scoped3A = tpu.sem_alloc : memref<!tpu.dma_semaphore, #tpu.memory_space<semaphore_mem>>
        %dma_start3A = arith.constant 0 : i32
        %dma_start3A_17 = tpu.memref_slice %arg6[%mul3A_15, %dma_start3A] : memref<163840x128xf32, #tpu.memory_space<hbm>> -> memref<128x128xf32, #tpu.memory_space<hbm>>
        %dma_start3A_18 = arith.constant 0 : i32
        %dma_start3A_19 = tpu.memref_slice %arg6[%mul3A_15, %dma_start3A_18] : memref<163840x128xf32, #tpu.memory_space<hbm>> -> memref<128x128xf32, #tpu.memory_space<hbm>>
        tpu.enqueue_dma source(%arg10 : memref<128x128xf32, #tpu.memory_space<vmem>>) target(%dma_start3A_19 : memref<128x128xf32, #tpu.memory_space<hbm>>) target_semaphore(%run_scoped3A : memref<!tpu.dma_semaphore, #tpu.memory_space<semaphore_mem>>)
        %dma_wait3A = arith.constant 0 : i32
        %dma_wait3A_20 = tpu.memref_slice %arg6[%mul3A_15, %dma_wait3A] : memref<163840x128xf32, #tpu.memory_space<hbm>> -> memref<128x128xf32, #tpu.memory_space<hbm>>
        %dma_wait3A_21 = arith.constant 0 : i32
        %dma_wait3A_22 = tpu.memref_slice %arg6[%mul3A_15, %dma_wait3A_21] : memref<163840x128xf32, #tpu.memory_space<hbm>> -> memref<128x128xf32, #tpu.memory_space<hbm>>
        tpu.wait_dma2 semaphore(%run_scoped3A : memref<!tpu.dma_semaphore, #tpu.memory_space<semaphore_mem>>) src(%arg10 : memref<128x128xf32, #tpu.memory_space<vmem>>) dst(%dma_wait3A_22 : memref<128x128xf32, #tpu.memory_space<hbm>>)
        tpu.yield
      }) : () -> ()
      %scan3A_16 = arith.constant 0 : i32
      scf.yield %scan3A_16 : i32
    }
    %scan3A_8 = arith.constant 40 : i32
    return
  }
}

#map = affine_map<(d0, d1) -> (0, 0)>
module attributes {stable_mosaic.version = 14 : i64} {
  func.func @scatter_k(%arg0: i32, %arg1: i32, %arg2: memref<1280x128xi32, #tpu.memory_space<hbm>>, %arg3: memref<163840x128xf32, #tpu.memory_space<hbm>>, %arg4: memref<163840x128xf32, #tpu.memory_space<hbm>>, %arg5: memref<10112x128xf32, #tpu.memory_space<hbm>>, %arg6: memref<10112x128xf32, #tpu.memory_space<hbm>>, %arg7: memref<10112x128xf32, #tpu.memory_space<hbm>>, %arg8: memref<80x128xi32, #tpu.memory_space<vmem>>, %arg9: memref<128x128xf32, #tpu.memory_space<vmem>>, %arg10: memref<10112x128xf32, #tpu.memory_space<vmem_shared>>) attributes {dimension_semantics = [#tpu.dimension_semantics<core_parallel>, #tpu.dimension_semantics<subcore_parallel>], iteration_bounds = array<i64: 2, 16>, scalar_prefetch = 0 : i64, scratch_operands = 3 : i64, tpu.core_type = #tpu.core_type<sc_vector_subcore>, window_params = [{transform_indices = #map}, {transform_indices = #map}, {transform_indices = #map}, {transform_indices = #map}, {transform_indices = #map}, {transform_indices = #map}]} {
    %mul3A = arith.constant 632 : i32
    %mul3A_0 = arith.muli %arg1, %mul3A : i32
    %mul3A_1 = arith.constant 632 : i32
    %mul3A_2 = arith.muli %arg1, %mul3A_1 : i32
    "tpu.region"() ({
      %run_scoped3A = tpu.sem_alloc : memref<!tpu.dma_semaphore, #tpu.memory_space<semaphore_mem>>
      %dma_start3A = arith.constant 0 : i32
      %dma_start3A_23 = tpu.memref_slice %arg10[%mul3A_2, %dma_start3A] : memref<10112x128xf32, #tpu.memory_space<vmem_shared>> -> memref<632x128xf32, #tpu.memory_space<vmem_shared>>
      %dma_start3A_24 = arith.constant 0 : i32
      %dma_start3A_25 = tpu.memref_slice %arg5[%mul3A_0, %dma_start3A_24] : memref<10112x128xf32, #tpu.memory_space<hbm>> -> memref<632x128xf32, #tpu.memory_space<hbm>>
      tpu.enqueue_dma source(%dma_start3A_25 : memref<632x128xf32, #tpu.memory_space<hbm>>) target(%dma_start3A_23 : memref<632x128xf32, #tpu.memory_space<vmem_shared>>) target_semaphore(%run_scoped3A : memref<!tpu.dma_semaphore, #tpu.memory_space<semaphore_mem>>)
      %dma_wait3A = arith.constant 0 : i32
      %dma_wait3A_26 = tpu.memref_slice %arg10[%mul3A_2, %dma_wait3A] : memref<10112x128xf32, #tpu.memory_space<vmem_shared>> -> memref<632x128xf32, #tpu.memory_space<vmem_shared>>
      %dma_wait3A_27 = arith.constant 0 : i32
      %dma_wait3A_28 = tpu.memref_slice %arg5[%mul3A_0, %dma_wait3A_27] : memref<10112x128xf32, #tpu.memory_space<hbm>> -> memref<632x128xf32, #tpu.memory_space<hbm>>
      tpu.wait_dma2 semaphore(%run_scoped3A : memref<!tpu.dma_semaphore, #tpu.memory_space<semaphore_mem>>) src(%dma_wait3A_28 : memref<632x128xf32, #tpu.memory_space<hbm>>) dst(%dma_wait3A_26 : memref<632x128xf32, #tpu.memory_space<vmem_shared>>)
      tpu.yield
    }) : () -> ()
    %mul3A_3 = arith.constant 80 : i32
    %mul3A_4 = arith.muli %arg1, %mul3A_3 : i32
    "tpu.region"() ({
      %run_scoped3A = tpu.sem_alloc : memref<!tpu.dma_semaphore, #tpu.memory_space<semaphore_mem>>
      %dma_start3A = arith.constant 0 : i32
      %dma_start3A_23 = tpu.memref_slice %arg2[%mul3A_4, %dma_start3A] : memref<1280x128xi32, #tpu.memory_space<hbm>> -> memref<80x128xi32, #tpu.memory_space<hbm>>
      %dma_start3A_24 = arith.constant 0 : i32
      %dma_start3A_25 = tpu.memref_slice %arg2[%mul3A_4, %dma_start3A_24] : memref<1280x128xi32, #tpu.memory_space<hbm>> -> memref<80x128xi32, #tpu.memory_space<hbm>>
      tpu.enqueue_dma source(%dma_start3A_25 : memref<80x128xi32, #tpu.memory_space<hbm>>) target(%arg8 : memref<80x128xi32, #tpu.memory_space<vmem>>) target_semaphore(%run_scoped3A : memref<!tpu.dma_semaphore, #tpu.memory_space<semaphore_mem>>)
      %dma_wait3A = arith.constant 0 : i32
      %dma_wait3A_26 = tpu.memref_slice %arg2[%mul3A_4, %dma_wait3A] : memref<1280x128xi32, #tpu.memory_space<hbm>> -> memref<80x128xi32, #tpu.memory_space<hbm>>
      %dma_wait3A_27 = arith.constant 0 : i32
      %dma_wait3A_28 = tpu.memref_slice %arg2[%mul3A_4, %dma_wait3A_27] : memref<1280x128xi32, #tpu.memory_space<hbm>> -> memref<80x128xi32, #tpu.memory_space<hbm>>
      tpu.wait_dma2 semaphore(%run_scoped3A : memref<!tpu.dma_semaphore, #tpu.memory_space<semaphore_mem>>) src(%dma_wait3A_28 : memref<80x128xi32, #tpu.memory_space<hbm>>) dst(%arg8 : memref<80x128xi32, #tpu.memory_space<vmem>>)
      tpu.yield
    }) : () -> ()
    %barrier3A = arith.constant 0 : index
    tpu.barrier barrier_id(%barrier3A)
    %eq3A = arith.constant 0 : i32
    %eq3A_5 = arith.cmpi eq, %arg0, %eq3A : i32
    %convert_element_type3A = arith.extui %eq3A_5 : i1 to i32
    %cond3A = arith.constant 0 : i32
    %cond3A_6 = arith.cmpi ne, %convert_element_type3A, %cond3A : i32
    scf.if %cond3A_6 {
      %scan3A = arith.constant 0 : i32
      %scan3A_23 = arith.constant 0 : i32
      %scan3A_24 = arith.constant 80 : i32
      %scan3A_25 = arith.addi %scan3A_23, %scan3A_24 : i32
      %scan3A_26 = arith.constant 1 : i32
      %scan3A_27 = scf.for %scan3A_29 = %scan3A_23 to %scan3A_25 step %scan3A_26 iter_args(%scan3A_30 = %scan3A) -> (i32)  : i32 {
        %add3A = arith.addi %mul3A_4, %scan3A_29 : i32
        %mul3A_31 = arith.constant 128 : i32
        %mul3A_32 = arith.muli %add3A, %mul3A_31 : i32
        "tpu.region"() ({
          %run_scoped3A = tpu.sem_alloc : memref<!tpu.dma_semaphore, #tpu.memory_space<semaphore_mem>>
          %dma_start3A = arith.constant 0 : i32
          %dma_start3A_34 = tpu.memref_slice %arg3[%mul3A_32, %dma_start3A] : memref<163840x128xf32, #tpu.memory_space<hbm>> -> memref<128x128xf32, #tpu.memory_space<hbm>>
          %dma_start3A_35 = arith.constant 0 : i32
          %dma_start3A_36 = tpu.memref_slice %arg3[%mul3A_32, %dma_start3A_35] : memref<163840x128xf32, #tpu.memory_space<hbm>> -> memref<128x128xf32, #tpu.memory_space<hbm>>
          tpu.enqueue_dma source(%dma_start3A_36 : memref<128x128xf32, #tpu.memory_space<hbm>>) target(%arg9 : memref<128x128xf32, #tpu.memory_space<vmem>>) target_semaphore(%run_scoped3A : memref<!tpu.dma_semaphore, #tpu.memory_space<semaphore_mem>>)
          %dma_wait3A = arith.constant 0 : i32
          %dma_wait3A_37 = tpu.memref_slice %arg3[%mul3A_32, %dma_wait3A] : memref<163840x128xf32, #tpu.memory_space<hbm>> -> memref<128x128xf32, #tpu.memory_space<hbm>>
          %dma_wait3A_38 = arith.constant 0 : i32
          %dma_wait3A_39 = tpu.memref_slice %arg3[%mul3A_32, %dma_wait3A_38] : memref<163840x128xf32, #tpu.memory_space<hbm>> -> memref<128x128xf32, #tpu.memory_space<hbm>>
          tpu.wait_dma2 semaphore(%run_scoped3A : memref<!tpu.dma_semaphore, #tpu.memory_space<semaphore_mem>>) src(%dma_wait3A_39 : memref<128x128xf32, #tpu.memory_space<hbm>>) dst(%arg9 : memref<128x128xf32, #tpu.memory_space<vmem>>)
          tpu.yield
        }) : () -> ()
        "tpu.region"() ({
          %run_scoped3A = tpu.sem_alloc : memref<!tpu.dma_semaphore, #tpu.memory_space<semaphore_mem>>
          %dma_start3A = arith.constant 0 : i32
          %dma_start3A_34 = tpu.memref_slice %arg8[%scan3A_29, %dma_start3A] : memref<80x128xi32, #tpu.memory_space<vmem>> -> memref<1x128xi32, #tpu.memory_space<vmem>>
          %dma_start3A_35 = tpu.memref_squeeze %dma_start3A_34 : memref<1x128xi32, #tpu.memory_space<vmem>> -> memref<128xi32, #tpu.memory_space<vmem>>
          %dma_start3A_36 = arith.constant 0 : i32
          %dma_start3A_37 = arith.constant 0 : i32
          %dma_start3A_38 = tpu.memref_slice %arg10[%dma_start3A_36, %dma_start3A_37] : memref<10112x128xf32, #tpu.memory_space<vmem_shared>> -> memref<10112x128xf32, #tpu.memory_space<vmem_shared>>
          tpu.enqueue_indirect_dma source(%arg9 : memref<128x128xf32, #tpu.memory_space<vmem>>) target(%dma_start3A_38 : memref<10112x128xf32, #tpu.memory_space<vmem_shared>>) offsets(%dma_start3A_35 : memref<128xi32, #tpu.memory_space<vmem>>) semaphore(%run_scoped3A : memref<!tpu.dma_semaphore, #tpu.memory_space<semaphore_mem>>) {add = true}
          %dma_wait3A = arith.constant 0 : i32
          %dma_wait3A_39 = tpu.memref_slice %arg8[%scan3A_29, %dma_wait3A] : memref<80x128xi32, #tpu.memory_space<vmem>> -> memref<1x128xi32, #tpu.memory_space<vmem>>
          %dma_wait3A_40 = tpu.memref_squeeze %dma_wait3A_39 : memref<1x128xi32, #tpu.memory_space<vmem>> -> memref<128xi32, #tpu.memory_space<vmem>>
          %dma_wait3A_41 = arith.constant 0 : i32
          %dma_wait3A_42 = arith.constant 0 : i32
          %dma_wait3A_43 = tpu.memref_slice %arg10[%dma_wait3A_41, %dma_wait3A_42] : memref<10112x128xf32, #tpu.memory_space<vmem_shared>> -> memref<10112x128xf32, #tpu.memory_space<vmem_shared>>
          tpu.wait_indirect_dma semaphore(%run_scoped3A : memref<!tpu.dma_semaphore, #tpu.memory_space<semaphore_mem>>) src(%arg9 : memref<128x128xf32, #tpu.memory_space<vmem>>) dst(%dma_wait3A_43 : memref<10112x128xf32, #tpu.memory_space<vmem_shared>>)
          tpu.yield
        }) : () -> ()
        %scan3A_33 = arith.constant 0 : i32
        scf.yield %scan3A_33 : i32
      }
      %scan3A_28 = arith.constant 80 : i32
    } else {
    }
    %eq3A_7 = arith.constant 1 : i32
    %eq3A_8 = arith.cmpi eq, %arg0, %eq3A_7 : i32
    %convert_element_type3A_9 = arith.extui %eq3A_8 : i1 to i32
    %cond3A_10 = arith.constant 0 : i32
    %cond3A_11 = arith.cmpi ne, %convert_element_type3A_9, %cond3A_10 : i32
    scf.if %cond3A_11 {
      %scan3A = arith.constant 0 : i32
      %scan3A_23 = arith.constant 0 : i32
      %scan3A_24 = arith.constant 80 : i32
      %scan3A_25 = arith.addi %scan3A_23, %scan3A_24 : i32
      %scan3A_26 = arith.constant 1 : i32
      %scan3A_27 = scf.for %scan3A_29 = %scan3A_23 to %scan3A_25 step %scan3A_26 iter_args(%scan3A_30 = %scan3A) -> (i32)  : i32 {
        %add3A = arith.addi %mul3A_4, %scan3A_29 : i32
        %mul3A_31 = arith.constant 128 : i32
        %mul3A_32 = arith.muli %add3A, %mul3A_31 : i32
        "tpu.region"() ({
          %run_scoped3A = tpu.sem_alloc : memref<!tpu.dma_semaphore, #tpu.memory_space<semaphore_mem>>
          %dma_start3A = arith.constant 0 : i32
          %dma_start3A_34 = tpu.memref_slice %arg4[%mul3A_32, %dma_start3A] : memref<163840x128xf32, #tpu.memory_space<hbm>> -> memref<128x128xf32, #tpu.memory_space<hbm>>
          %dma_start3A_35 = arith.constant 0 : i32
          %dma_start3A_36 = tpu.memref_slice %arg4[%mul3A_32, %dma_start3A_35] : memref<163840x128xf32, #tpu.memory_space<hbm>> -> memref<128x128xf32, #tpu.memory_space<hbm>>
          tpu.enqueue_dma source(%dma_start3A_36 : memref<128x128xf32, #tpu.memory_space<hbm>>) target(%arg9 : memref<128x128xf32, #tpu.memory_space<vmem>>) target_semaphore(%run_scoped3A : memref<!tpu.dma_semaphore, #tpu.memory_space<semaphore_mem>>)
          %dma_wait3A = arith.constant 0 : i32
          %dma_wait3A_37 = tpu.memref_slice %arg4[%mul3A_32, %dma_wait3A] : memref<163840x128xf32, #tpu.memory_space<hbm>> -> memref<128x128xf32, #tpu.memory_space<hbm>>
          %dma_wait3A_38 = arith.constant 0 : i32
          %dma_wait3A_39 = tpu.memref_slice %arg4[%mul3A_32, %dma_wait3A_38] : memref<163840x128xf32, #tpu.memory_space<hbm>> -> memref<128x128xf32, #tpu.memory_space<hbm>>
          tpu.wait_dma2 semaphore(%run_scoped3A : memref<!tpu.dma_semaphore, #tpu.memory_space<semaphore_mem>>) src(%dma_wait3A_39 : memref<128x128xf32, #tpu.memory_space<hbm>>) dst(%arg9 : memref<128x128xf32, #tpu.memory_space<vmem>>)
          tpu.yield
        }) : () -> ()
        "tpu.region"() ({
          %run_scoped3A = tpu.sem_alloc : memref<!tpu.dma_semaphore, #tpu.memory_space<semaphore_mem>>
          %dma_start3A = arith.constant 0 : i32
          %dma_start3A_34 = tpu.memref_slice %arg8[%scan3A_29, %dma_start3A] : memref<80x128xi32, #tpu.memory_space<vmem>> -> memref<1x128xi32, #tpu.memory_space<vmem>>
          %dma_start3A_35 = tpu.memref_squeeze %dma_start3A_34 : memref<1x128xi32, #tpu.memory_space<vmem>> -> memref<128xi32, #tpu.memory_space<vmem>>
          %dma_start3A_36 = arith.constant 0 : i32
          %dma_start3A_37 = arith.constant 0 : i32
          %dma_start3A_38 = tpu.memref_slice %arg10[%dma_start3A_36, %dma_start3A_37] : memref<10112x128xf32, #tpu.memory_space<vmem_shared>> -> memref<10112x128xf32, #tpu.memory_space<vmem_shared>>
          tpu.enqueue_indirect_dma source(%arg9 : memref<128x128xf32, #tpu.memory_space<vmem>>) target(%dma_start3A_38 : memref<10112x128xf32, #tpu.memory_space<vmem_shared>>) offsets(%dma_start3A_35 : memref<128xi32, #tpu.memory_space<vmem>>) semaphore(%run_scoped3A : memref<!tpu.dma_semaphore, #tpu.memory_space<semaphore_mem>>) {add = true}
          %dma_wait3A = arith.constant 0 : i32
          %dma_wait3A_39 = tpu.memref_slice %arg8[%scan3A_29, %dma_wait3A] : memref<80x128xi32, #tpu.memory_space<vmem>> -> memref<1x128xi32, #tpu.memory_space<vmem>>
          %dma_wait3A_40 = tpu.memref_squeeze %dma_wait3A_39 : memref<1x128xi32, #tpu.memory_space<vmem>> -> memref<128xi32, #tpu.memory_space<vmem>>
          %dma_wait3A_41 = arith.constant 0 : i32
          %dma_wait3A_42 = arith.constant 0 : i32
          %dma_wait3A_43 = tpu.memref_slice %arg10[%dma_wait3A_41, %dma_wait3A_42] : memref<10112x128xf32, #tpu.memory_space<vmem_shared>> -> memref<10112x128xf32, #tpu.memory_space<vmem_shared>>
          tpu.wait_indirect_dma semaphore(%run_scoped3A : memref<!tpu.dma_semaphore, #tpu.memory_space<semaphore_mem>>) src(%arg9 : memref<128x128xf32, #tpu.memory_space<vmem>>) dst(%dma_wait3A_43 : memref<10112x128xf32, #tpu.memory_space<vmem_shared>>)
          tpu.yield
        }) : () -> ()
        %scan3A_33 = arith.constant 0 : i32
        scf.yield %scan3A_33 : i32
      }
      %scan3A_28 = arith.constant 80 : i32
    } else {
    }
    %barrier3A_12 = arith.constant 0 : index
    tpu.barrier barrier_id(%barrier3A_12)
    %eq3A_13 = arith.constant 0 : i32
    %eq3A_14 = arith.cmpi eq, %arg0, %eq3A_13 : i32
    %convert_element_type3A_15 = arith.extui %eq3A_14 : i1 to i32
    %cond3A_16 = arith.constant 0 : i32
    %cond3A_17 = arith.cmpi ne, %convert_element_type3A_15, %cond3A_16 : i32
    scf.if %cond3A_17 {
      %mul3A_23 = arith.constant 632 : i32
      %mul3A_24 = arith.muli %arg1, %mul3A_23 : i32
      %mul3A_25 = arith.constant 632 : i32
      %mul3A_26 = arith.muli %arg1, %mul3A_25 : i32
      "tpu.region"() ({
        %run_scoped3A = tpu.sem_alloc : memref<!tpu.dma_semaphore, #tpu.memory_space<semaphore_mem>>
        %dma_start3A = arith.constant 0 : i32
        %dma_start3A_27 = tpu.memref_slice %arg6[%mul3A_26, %dma_start3A] : memref<10112x128xf32, #tpu.memory_space<hbm>> -> memref<632x128xf32, #tpu.memory_space<hbm>>
        %dma_start3A_28 = arith.constant 0 : i32
        %dma_start3A_29 = tpu.memref_slice %arg10[%mul3A_24, %dma_start3A_28] : memref<10112x128xf32, #tpu.memory_space<vmem_shared>> -> memref<632x128xf32, #tpu.memory_space<vmem_shared>>
        tpu.enqueue_dma source(%dma_start3A_29 : memref<632x128xf32, #tpu.memory_space<vmem_shared>>) target(%dma_start3A_27 : memref<632x128xf32, #tpu.memory_space<hbm>>) target_semaphore(%run_scoped3A : memref<!tpu.dma_semaphore, #tpu.memory_space<semaphore_mem>>)
        %dma_wait3A = arith.constant 0 : i32
        %dma_wait3A_30 = tpu.memref_slice %arg6[%mul3A_26, %dma_wait3A] : memref<10112x128xf32, #tpu.memory_space<hbm>> -> memref<632x128xf32, #tpu.memory_space<hbm>>
        %dma_wait3A_31 = arith.constant 0 : i32
        %dma_wait3A_32 = tpu.memref_slice %arg10[%mul3A_24, %dma_wait3A_31] : memref<10112x128xf32, #tpu.memory_space<vmem_shared>> -> memref<632x128xf32, #tpu.memory_space<vmem_shared>>
        tpu.wait_dma2 semaphore(%run_scoped3A : memref<!tpu.dma_semaphore, #tpu.memory_space<semaphore_mem>>) src(%dma_wait3A_32 : memref<632x128xf32, #tpu.memory_space<vmem_shared>>) dst(%dma_wait3A_30 : memref<632x128xf32, #tpu.memory_space<hbm>>)
        tpu.yield
      }) : () -> ()
    } else {
    }
    %eq3A_18 = arith.constant 1 : i32
    %eq3A_19 = arith.cmpi eq, %arg0, %eq3A_18 : i32
    %convert_element_type3A_20 = arith.extui %eq3A_19 : i1 to i32
    %cond3A_21 = arith.constant 0 : i32
    %cond3A_22 = arith.cmpi ne, %convert_element_type3A_20, %cond3A_21 : i32
    scf.if %cond3A_22 {
      %mul3A_23 = arith.constant 632 : i32
      %mul3A_24 = arith.muli %arg1, %mul3A_23 : i32
      %mul3A_25 = arith.constant 632 : i32
      %mul3A_26 = arith.muli %arg1, %mul3A_25 : i32
      "tpu.region"() ({
        %run_scoped3A = tpu.sem_alloc : memref<!tpu.dma_semaphore, #tpu.memory_space<semaphore_mem>>
        %dma_start3A = arith.constant 0 : i32
        %dma_start3A_27 = tpu.memref_slice %arg7[%mul3A_26, %dma_start3A] : memref<10112x128xf32, #tpu.memory_space<hbm>> -> memref<632x128xf32, #tpu.memory_space<hbm>>
        %dma_start3A_28 = arith.constant 0 : i32
        %dma_start3A_29 = tpu.memref_slice %arg10[%mul3A_24, %dma_start3A_28] : memref<10112x128xf32, #tpu.memory_space<vmem_shared>> -> memref<632x128xf32, #tpu.memory_space<vmem_shared>>
        tpu.enqueue_dma source(%dma_start3A_29 : memref<632x128xf32, #tpu.memory_space<vmem_shared>>) target(%dma_start3A_27 : memref<632x128xf32, #tpu.memory_space<hbm>>) target_semaphore(%run_scoped3A : memref<!tpu.dma_semaphore, #tpu.memory_space<semaphore_mem>>)
        %dma_wait3A = arith.constant 0 : i32
        %dma_wait3A_30 = tpu.memref_slice %arg7[%mul3A_26, %dma_wait3A] : memref<10112x128xf32, #tpu.memory_space<hbm>> -> memref<632x128xf32, #tpu.memory_space<hbm>>
        %dma_wait3A_31 = arith.constant 0 : i32
        %dma_wait3A_32 = tpu.memref_slice %arg10[%mul3A_24, %dma_wait3A_31] : memref<10112x128xf32, #tpu.memory_space<vmem_shared>> -> memref<632x128xf32, #tpu.memory_space<vmem_shared>>
        tpu.wait_dma2 semaphore(%run_scoped3A : memref<!tpu.dma_semaphore, #tpu.memory_space<semaphore_mem>>) src(%dma_wait3A_32 : memref<632x128xf32, #tpu.memory_space<vmem_shared>>) dst(%dma_wait3A_30 : memref<632x128xf32, #tpu.memory_space<hbm>>)
        tpu.yield
      }) : () -> ()
    } else {
    }
    return
  }
}

#map = affine_map<(d0, d1) -> (0, 0)>
module attributes {stable_mosaic.version = 14 : i64} {
  func.func @scatter_k(%arg0: i32, %arg1: i32, %arg2: memref<1280x128xi32, #tpu.memory_space<hbm>>, %arg3: memref<163840x128xf32, #tpu.memory_space<hbm>>, %arg4: memref<163840x128xf32, #tpu.memory_space<hbm>>, %arg5: memref<10112x128xf32, #tpu.memory_space<hbm>>, %arg6: memref<10112x128xf32, #tpu.memory_space<hbm>>, %arg7: memref<10112x128xf32, #tpu.memory_space<hbm>>, %arg8: memref<80x128xi32, #tpu.memory_space<vmem>>, %arg9: memref<128x128xf32, #tpu.memory_space<vmem>>, %arg10: memref<10112x128xf32, #tpu.memory_space<vmem_shared>>) attributes {dimension_semantics = [#tpu.dimension_semantics<core_parallel>, #tpu.dimension_semantics<subcore_parallel>], iteration_bounds = array<i64: 2, 16>, scalar_prefetch = 0 : i64, scratch_operands = 3 : i64, tpu.core_type = #tpu.core_type<sc_vector_subcore>, window_params = [{transform_indices = #map}, {transform_indices = #map}, {transform_indices = #map}, {transform_indices = #map}, {transform_indices = #map}, {transform_indices = #map}]} {
    %mul3A = arith.constant 632 : i32
    %mul3A_0 = arith.muli %arg1, %mul3A : i32
    %mul3A_1 = arith.constant 632 : i32
    %mul3A_2 = arith.muli %arg1, %mul3A_1 : i32
    "tpu.region"() ({
      %run_scoped3A = tpu.sem_alloc : memref<!tpu.dma_semaphore, #tpu.memory_space<semaphore_mem>>
      %dma_start3A = arith.constant 0 : i32
      %dma_start3A_23 = tpu.memref_slice %arg10[%mul3A_2, %dma_start3A] : memref<10112x128xf32, #tpu.memory_space<vmem_shared>> -> memref<632x128xf32, #tpu.memory_space<vmem_shared>>
      %dma_start3A_24 = arith.constant 0 : i32
      %dma_start3A_25 = tpu.memref_slice %arg5[%mul3A_0, %dma_start3A_24] : memref<10112x128xf32, #tpu.memory_space<hbm>> -> memref<632x128xf32, #tpu.memory_space<hbm>>
      tpu.enqueue_dma source(%dma_start3A_25 : memref<632x128xf32, #tpu.memory_space<hbm>>) target(%dma_start3A_23 : memref<632x128xf32, #tpu.memory_space<vmem_shared>>) target_semaphore(%run_scoped3A : memref<!tpu.dma_semaphore, #tpu.memory_space<semaphore_mem>>)
      %dma_wait3A = arith.constant 0 : i32
      %dma_wait3A_26 = tpu.memref_slice %arg10[%mul3A_2, %dma_wait3A] : memref<10112x128xf32, #tpu.memory_space<vmem_shared>> -> memref<632x128xf32, #tpu.memory_space<vmem_shared>>
      %dma_wait3A_27 = arith.constant 0 : i32
      %dma_wait3A_28 = tpu.memref_slice %arg5[%mul3A_0, %dma_wait3A_27] : memref<10112x128xf32, #tpu.memory_space<hbm>> -> memref<632x128xf32, #tpu.memory_space<hbm>>
      tpu.wait_dma2 semaphore(%run_scoped3A : memref<!tpu.dma_semaphore, #tpu.memory_space<semaphore_mem>>) src(%dma_wait3A_28 : memref<632x128xf32, #tpu.memory_space<hbm>>) dst(%dma_wait3A_26 : memref<632x128xf32, #tpu.memory_space<vmem_shared>>)
      tpu.yield
    }) : () -> ()
    %mul3A_3 = arith.constant 80 : i32
    %mul3A_4 = arith.muli %arg1, %mul3A_3 : i32
    "tpu.region"() ({
      %run_scoped3A = tpu.sem_alloc : memref<!tpu.dma_semaphore, #tpu.memory_space<semaphore_mem>>
      %dma_start3A = arith.constant 0 : i32
      %dma_start3A_23 = tpu.memref_slice %arg2[%mul3A_4, %dma_start3A] : memref<1280x128xi32, #tpu.memory_space<hbm>> -> memref<80x128xi32, #tpu.memory_space<hbm>>
      %dma_start3A_24 = arith.constant 0 : i32
      %dma_start3A_25 = tpu.memref_slice %arg2[%mul3A_4, %dma_start3A_24] : memref<1280x128xi32, #tpu.memory_space<hbm>> -> memref<80x128xi32, #tpu.memory_space<hbm>>
      tpu.enqueue_dma source(%dma_start3A_25 : memref<80x128xi32, #tpu.memory_space<hbm>>) target(%arg8 : memref<80x128xi32, #tpu.memory_space<vmem>>) target_semaphore(%run_scoped3A : memref<!tpu.dma_semaphore, #tpu.memory_space<semaphore_mem>>)
      %dma_wait3A = arith.constant 0 : i32
      %dma_wait3A_26 = tpu.memref_slice %arg2[%mul3A_4, %dma_wait3A] : memref<1280x128xi32, #tpu.memory_space<hbm>> -> memref<80x128xi32, #tpu.memory_space<hbm>>
      %dma_wait3A_27 = arith.constant 0 : i32
      %dma_wait3A_28 = tpu.memref_slice %arg2[%mul3A_4, %dma_wait3A_27] : memref<1280x128xi32, #tpu.memory_space<hbm>> -> memref<80x128xi32, #tpu.memory_space<hbm>>
      tpu.wait_dma2 semaphore(%run_scoped3A : memref<!tpu.dma_semaphore, #tpu.memory_space<semaphore_mem>>) src(%dma_wait3A_28 : memref<80x128xi32, #tpu.memory_space<hbm>>) dst(%arg8 : memref<80x128xi32, #tpu.memory_space<vmem>>)
      tpu.yield
    }) : () -> ()
    %barrier3A = arith.constant 0 : index
    tpu.barrier barrier_id(%barrier3A)
    %eq3A = arith.constant 0 : i32
    %eq3A_5 = arith.cmpi eq, %arg0, %eq3A : i32
    %convert_element_type3A = arith.extui %eq3A_5 : i1 to i32
    %cond3A = arith.constant 0 : i32
    %cond3A_6 = arith.cmpi ne, %convert_element_type3A, %cond3A : i32
    scf.if %cond3A_6 {
      %scan3A = arith.constant 0 : i32
      %scan3A_23 = arith.constant 0 : i32
      %scan3A_24 = arith.constant 80 : i32
      %scan3A_25 = arith.addi %scan3A_23, %scan3A_24 : i32
      %scan3A_26 = arith.constant 1 : i32
      %scan3A_27 = scf.for %scan3A_29 = %scan3A_23 to %scan3A_25 step %scan3A_26 iter_args(%scan3A_30 = %scan3A) -> (i32)  : i32 {
        %add3A = arith.addi %mul3A_4, %scan3A_29 : i32
        %mul3A_31 = arith.constant 128 : i32
        %mul3A_32 = arith.muli %add3A, %mul3A_31 : i32
        "tpu.region"() ({
          %run_scoped3A = tpu.sem_alloc : memref<!tpu.dma_semaphore, #tpu.memory_space<semaphore_mem>>
          %dma_start3A = arith.constant 0 : i32
          %dma_start3A_34 = tpu.memref_slice %arg3[%mul3A_32, %dma_start3A] : memref<163840x128xf32, #tpu.memory_space<hbm>> -> memref<128x128xf32, #tpu.memory_space<hbm>>
          %dma_start3A_35 = arith.constant 0 : i32
          %dma_start3A_36 = tpu.memref_slice %arg3[%mul3A_32, %dma_start3A_35] : memref<163840x128xf32, #tpu.memory_space<hbm>> -> memref<128x128xf32, #tpu.memory_space<hbm>>
          tpu.enqueue_dma source(%dma_start3A_36 : memref<128x128xf32, #tpu.memory_space<hbm>>) target(%arg9 : memref<128x128xf32, #tpu.memory_space<vmem>>) target_semaphore(%run_scoped3A : memref<!tpu.dma_semaphore, #tpu.memory_space<semaphore_mem>>)
          %dma_wait3A = arith.constant 0 : i32
          %dma_wait3A_37 = tpu.memref_slice %arg3[%mul3A_32, %dma_wait3A] : memref<163840x128xf32, #tpu.memory_space<hbm>> -> memref<128x128xf32, #tpu.memory_space<hbm>>
          %dma_wait3A_38 = arith.constant 0 : i32
          %dma_wait3A_39 = tpu.memref_slice %arg3[%mul3A_32, %dma_wait3A_38] : memref<163840x128xf32, #tpu.memory_space<hbm>> -> memref<128x128xf32, #tpu.memory_space<hbm>>
          tpu.wait_dma2 semaphore(%run_scoped3A : memref<!tpu.dma_semaphore, #tpu.memory_space<semaphore_mem>>) src(%dma_wait3A_39 : memref<128x128xf32, #tpu.memory_space<hbm>>) dst(%arg9 : memref<128x128xf32, #tpu.memory_space<vmem>>)
          tpu.yield
        }) : () -> ()
        "tpu.region"() ({
          %run_scoped3A = tpu.sem_alloc : memref<!tpu.dma_semaphore, #tpu.memory_space<semaphore_mem>>
          %dma_start3A = arith.constant 0 : i32
          %dma_start3A_34 = tpu.memref_slice %arg8[%scan3A_29, %dma_start3A] : memref<80x128xi32, #tpu.memory_space<vmem>> -> memref<1x128xi32, #tpu.memory_space<vmem>>
          %dma_start3A_35 = tpu.memref_squeeze %dma_start3A_34 : memref<1x128xi32, #tpu.memory_space<vmem>> -> memref<128xi32, #tpu.memory_space<vmem>>
          %dma_start3A_36 = arith.constant 0 : i32
          %dma_start3A_37 = arith.constant 0 : i32
          %dma_start3A_38 = tpu.memref_slice %arg10[%dma_start3A_36, %dma_start3A_37] : memref<10112x128xf32, #tpu.memory_space<vmem_shared>> -> memref<10112x128xf32, #tpu.memory_space<vmem_shared>>
          tpu.enqueue_indirect_dma source(%arg9 : memref<128x128xf32, #tpu.memory_space<vmem>>) target(%dma_start3A_38 : memref<10112x128xf32, #tpu.memory_space<vmem_shared>>) offsets(%dma_start3A_35 : memref<128xi32, #tpu.memory_space<vmem>>) semaphore(%run_scoped3A : memref<!tpu.dma_semaphore, #tpu.memory_space<semaphore_mem>>) {add = true}
          %dma_wait3A = arith.constant 0 : i32
          %dma_wait3A_39 = tpu.memref_slice %arg8[%scan3A_29, %dma_wait3A] : memref<80x128xi32, #tpu.memory_space<vmem>> -> memref<1x128xi32, #tpu.memory_space<vmem>>
          %dma_wait3A_40 = tpu.memref_squeeze %dma_wait3A_39 : memref<1x128xi32, #tpu.memory_space<vmem>> -> memref<128xi32, #tpu.memory_space<vmem>>
          %dma_wait3A_41 = arith.constant 0 : i32
          %dma_wait3A_42 = arith.constant 0 : i32
          %dma_wait3A_43 = tpu.memref_slice %arg10[%dma_wait3A_41, %dma_wait3A_42] : memref<10112x128xf32, #tpu.memory_space<vmem_shared>> -> memref<10112x128xf32, #tpu.memory_space<vmem_shared>>
          tpu.wait_indirect_dma semaphore(%run_scoped3A : memref<!tpu.dma_semaphore, #tpu.memory_space<semaphore_mem>>) src(%arg9 : memref<128x128xf32, #tpu.memory_space<vmem>>) dst(%dma_wait3A_43 : memref<10112x128xf32, #tpu.memory_space<vmem_shared>>)
          tpu.yield
        }) : () -> ()
        %scan3A_33 = arith.constant 0 : i32
        scf.yield %scan3A_33 : i32
      }
      %scan3A_28 = arith.constant 80 : i32
    } else {
    }
    %eq3A_7 = arith.constant 1 : i32
    %eq3A_8 = arith.cmpi eq, %arg0, %eq3A_7 : i32
    %convert_element_type3A_9 = arith.extui %eq3A_8 : i1 to i32
    %cond3A_10 = arith.constant 0 : i32
    %cond3A_11 = arith.cmpi ne, %convert_element_type3A_9, %cond3A_10 : i32
    scf.if %cond3A_11 {
      %scan3A = arith.constant 0 : i32
      %scan3A_23 = arith.constant 0 : i32
      %scan3A_24 = arith.constant 80 : i32
      %scan3A_25 = arith.addi %scan3A_23, %scan3A_24 : i32
      %scan3A_26 = arith.constant 1 : i32
      %scan3A_27 = scf.for %scan3A_29 = %scan3A_23 to %scan3A_25 step %scan3A_26 iter_args(%scan3A_30 = %scan3A) -> (i32)  : i32 {
        %add3A = arith.addi %mul3A_4, %scan3A_29 : i32
        %mul3A_31 = arith.constant 128 : i32
        %mul3A_32 = arith.muli %add3A, %mul3A_31 : i32
        "tpu.region"() ({
          %run_scoped3A = tpu.sem_alloc : memref<!tpu.dma_semaphore, #tpu.memory_space<semaphore_mem>>
          %dma_start3A = arith.constant 0 : i32
          %dma_start3A_34 = tpu.memref_slice %arg4[%mul3A_32, %dma_start3A] : memref<163840x128xf32, #tpu.memory_space<hbm>> -> memref<128x128xf32, #tpu.memory_space<hbm>>
          %dma_start3A_35 = arith.constant 0 : i32
          %dma_start3A_36 = tpu.memref_slice %arg4[%mul3A_32, %dma_start3A_35] : memref<163840x128xf32, #tpu.memory_space<hbm>> -> memref<128x128xf32, #tpu.memory_space<hbm>>
          tpu.enqueue_dma source(%dma_start3A_36 : memref<128x128xf32, #tpu.memory_space<hbm>>) target(%arg9 : memref<128x128xf32, #tpu.memory_space<vmem>>) target_semaphore(%run_scoped3A : memref<!tpu.dma_semaphore, #tpu.memory_space<semaphore_mem>>)
          %dma_wait3A = arith.constant 0 : i32
          %dma_wait3A_37 = tpu.memref_slice %arg4[%mul3A_32, %dma_wait3A] : memref<163840x128xf32, #tpu.memory_space<hbm>> -> memref<128x128xf32, #tpu.memory_space<hbm>>
          %dma_wait3A_38 = arith.constant 0 : i32
          %dma_wait3A_39 = tpu.memref_slice %arg4[%mul3A_32, %dma_wait3A_38] : memref<163840x128xf32, #tpu.memory_space<hbm>> -> memref<128x128xf32, #tpu.memory_space<hbm>>
          tpu.wait_dma2 semaphore(%run_scoped3A : memref<!tpu.dma_semaphore, #tpu.memory_space<semaphore_mem>>) src(%dma_wait3A_39 : memref<128x128xf32, #tpu.memory_space<hbm>>) dst(%arg9 : memref<128x128xf32, #tpu.memory_space<vmem>>)
          tpu.yield
        }) : () -> ()
        "tpu.region"() ({
          %run_scoped3A = tpu.sem_alloc : memref<!tpu.dma_semaphore, #tpu.memory_space<semaphore_mem>>
          %dma_start3A = arith.constant 0 : i32
          %dma_start3A_34 = tpu.memref_slice %arg8[%scan3A_29, %dma_start3A] : memref<80x128xi32, #tpu.memory_space<vmem>> -> memref<1x128xi32, #tpu.memory_space<vmem>>
          %dma_start3A_35 = tpu.memref_squeeze %dma_start3A_34 : memref<1x128xi32, #tpu.memory_space<vmem>> -> memref<128xi32, #tpu.memory_space<vmem>>
          %dma_start3A_36 = arith.constant 0 : i32
          %dma_start3A_37 = arith.constant 0 : i32
          %dma_start3A_38 = tpu.memref_slice %arg10[%dma_start3A_36, %dma_start3A_37] : memref<10112x128xf32, #tpu.memory_space<vmem_shared>> -> memref<10112x128xf32, #tpu.memory_space<vmem_shared>>
          tpu.enqueue_indirect_dma source(%arg9 : memref<128x128xf32, #tpu.memory_space<vmem>>) target(%dma_start3A_38 : memref<10112x128xf32, #tpu.memory_space<vmem_shared>>) offsets(%dma_start3A_35 : memref<128xi32, #tpu.memory_space<vmem>>) semaphore(%run_scoped3A : memref<!tpu.dma_semaphore, #tpu.memory_space<semaphore_mem>>) {add = true}
          %dma_wait3A = arith.constant 0 : i32
          %dma_wait3A_39 = tpu.memref_slice %arg8[%scan3A_29, %dma_wait3A] : memref<80x128xi32, #tpu.memory_space<vmem>> -> memref<1x128xi32, #tpu.memory_space<vmem>>
          %dma_wait3A_40 = tpu.memref_squeeze %dma_wait3A_39 : memref<1x128xi32, #tpu.memory_space<vmem>> -> memref<128xi32, #tpu.memory_space<vmem>>
          %dma_wait3A_41 = arith.constant 0 : i32
          %dma_wait3A_42 = arith.constant 0 : i32
          %dma_wait3A_43 = tpu.memref_slice %arg10[%dma_wait3A_41, %dma_wait3A_42] : memref<10112x128xf32, #tpu.memory_space<vmem_shared>> -> memref<10112x128xf32, #tpu.memory_space<vmem_shared>>
          tpu.wait_indirect_dma semaphore(%run_scoped3A : memref<!tpu.dma_semaphore, #tpu.memory_space<semaphore_mem>>) src(%arg9 : memref<128x128xf32, #tpu.memory_space<vmem>>) dst(%dma_wait3A_43 : memref<10112x128xf32, #tpu.memory_space<vmem_shared>>)
          tpu.yield
        }) : () -> ()
        %scan3A_33 = arith.constant 0 : i32
        scf.yield %scan3A_33 : i32
      }
      %scan3A_28 = arith.constant 80 : i32
    } else {
    }
    %barrier3A_12 = arith.constant 0 : index
    tpu.barrier barrier_id(%barrier3A_12)
    %eq3A_13 = arith.constant 0 : i32
    %eq3A_14 = arith.cmpi eq, %arg0, %eq3A_13 : i32
    %convert_element_type3A_15 = arith.extui %eq3A_14 : i1 to i32
    %cond3A_16 = arith.constant 0 : i32
    %cond3A_17 = arith.cmpi ne, %convert_element_type3A_15, %cond3A_16 : i32
    scf.if %cond3A_17 {
      %mul3A_23 = arith.constant 632 : i32
      %mul3A_24 = arith.muli %arg1, %mul3A_23 : i32
      %mul3A_25 = arith.constant 632 : i32
      %mul3A_26 = arith.muli %arg1, %mul3A_25 : i32
      "tpu.region"() ({
        %run_scoped3A = tpu.sem_alloc : memref<!tpu.dma_semaphore, #tpu.memory_space<semaphore_mem>>
        %dma_start3A = arith.constant 0 : i32
        %dma_start3A_27 = tpu.memref_slice %arg6[%mul3A_26, %dma_start3A] : memref<10112x128xf32, #tpu.memory_space<hbm>> -> memref<632x128xf32, #tpu.memory_space<hbm>>
        %dma_start3A_28 = arith.constant 0 : i32
        %dma_start3A_29 = tpu.memref_slice %arg10[%mul3A_24, %dma_start3A_28] : memref<10112x128xf32, #tpu.memory_space<vmem_shared>> -> memref<632x128xf32, #tpu.memory_space<vmem_shared>>
        tpu.enqueue_dma source(%dma_start3A_29 : memref<632x128xf32, #tpu.memory_space<vmem_shared>>) target(%dma_start3A_27 : memref<632x128xf32, #tpu.memory_space<hbm>>) target_semaphore(%run_scoped3A : memref<!tpu.dma_semaphore, #tpu.memory_space<semaphore_mem>>)
        %dma_wait3A = arith.constant 0 : i32
        %dma_wait3A_30 = tpu.memref_slice %arg6[%mul3A_26, %dma_wait3A] : memref<10112x128xf32, #tpu.memory_space<hbm>> -> memref<632x128xf32, #tpu.memory_space<hbm>>
        %dma_wait3A_31 = arith.constant 0 : i32
        %dma_wait3A_32 = tpu.memref_slice %arg10[%mul3A_24, %dma_wait3A_31] : memref<10112x128xf32, #tpu.memory_space<vmem_shared>> -> memref<632x128xf32, #tpu.memory_space<vmem_shared>>
        tpu.wait_dma2 semaphore(%run_scoped3A : memref<!tpu.dma_semaphore, #tpu.memory_space<semaphore_mem>>) src(%dma_wait3A_32 : memref<632x128xf32, #tpu.memory_space<vmem_shared>>) dst(%dma_wait3A_30 : memref<632x128xf32, #tpu.memory_space<hbm>>)
        tpu.yield
      }) : () -> ()
    } else {
    }
    %eq3A_18 = arith.constant 1 : i32
    %eq3A_19 = arith.cmpi eq, %arg0, %eq3A_18 : i32
    %convert_element_type3A_20 = arith.extui %eq3A_19 : i1 to i32
    %cond3A_21 = arith.constant 0 : i32
    %cond3A_22 = arith.cmpi ne, %convert_element_type3A_20, %cond3A_21 : i32
    scf.if %cond3A_22 {
      %mul3A_23 = arith.constant 632 : i32
      %mul3A_24 = arith.muli %arg1, %mul3A_23 : i32
      %mul3A_25 = arith.constant 632 : i32
      %mul3A_26 = arith.muli %arg1, %mul3A_25 : i32
      "tpu.region"() ({
        %run_scoped3A = tpu.sem_alloc : memref<!tpu.dma_semaphore, #tpu.memory_space<semaphore_mem>>
        %dma_start3A = arith.constant 0 : i32
        %dma_start3A_27 = tpu.memref_slice %arg7[%mul3A_26, %dma_start3A] : memref<10112x128xf32, #tpu.memory_space<hbm>> -> memref<632x128xf32, #tpu.memory_space<hbm>>
        %dma_start3A_28 = arith.constant 0 : i32
        %dma_start3A_29 = tpu.memref_slice %arg10[%mul3A_24, %dma_start3A_28] : memref<10112x128xf32, #tpu.memory_space<vmem_shared>> -> memref<632x128xf32, #tpu.memory_space<vmem_shared>>
        tpu.enqueue_dma source(%dma_start3A_29 : memref<632x128xf32, #tpu.memory_space<vmem_shared>>) target(%dma_start3A_27 : memref<632x128xf32, #tpu.memory_space<hbm>>) target_semaphore(%run_scoped3A : memref<!tpu.dma_semaphore, #tpu.memory_space<semaphore_mem>>)
        %dma_wait3A = arith.constant 0 : i32
        %dma_wait3A_30 = tpu.memref_slice %arg7[%mul3A_26, %dma_wait3A] : memref<10112x128xf32, #tpu.memory_space<hbm>> -> memref<632x128xf32, #tpu.memory_space<hbm>>
        %dma_wait3A_31 = arith.constant 0 : i32
        %dma_wait3A_32 = tpu.memref_slice %arg10[%mul3A_24, %dma_wait3A_31] : memref<10112x128xf32, #tpu.memory_space<vmem_shared>> -> memref<632x128xf32, #tpu.memory_space<vmem_shared>>
        tpu.wait_dma2 semaphore(%run_scoped3A : memref<!tpu.dma_semaphore, #tpu.memory_space<semaphore_mem>>) src(%dma_wait3A_32 : memref<632x128xf32, #tpu.memory_space<vmem_shared>>) dst(%dma_wait3A_30 : memref<632x128xf32, #tpu.memory_space<hbm>>)
        tpu.yield
      }) : () -> ()
    } else {
    }
    return
  }
}

module attributes {stable_mosaic.version = 14 : i64} {
  func.func @_edge_kernel(%arg0: i32, %arg1: memref<1280x128xf32, #tpu.memory_space<vmem>>, %arg2: memref<1280x128xf32, #tpu.memory_space<vmem>>, %arg3: memref<1280x16xf32, #tpu.memory_space<vmem>>, %arg4: memref<128x16xf32, #tpu.memory_space<vmem>>, %arg5: memref<128x16xf32, #tpu.memory_space<vmem>>, %arg6: memref<16x16xf32, #tpu.memory_space<vmem>>, %arg7: memref<1x16xf32, #tpu.memory_space<vmem>>, %arg8: memref<1x16xf32, #tpu.memory_space<vmem>>, %arg9: memref<1x16xf32, #tpu.memory_space<vmem>>, %arg10: memref<16x128xf32, #tpu.memory_space<vmem>>, %arg11: memref<1x128xf32, #tpu.memory_space<vmem>>, %arg12: memref<1xf32, #tpu.memory_space<smem>>, %arg13: memref<1280x16xf32, #tpu.memory_space<vmem>>, %arg14: memref<1280x128xf32, #tpu.memory_space<vmem>>, %arg15: memref<1280x128xf32, #tpu.memory_space<vmem>>) attributes {dimension_semantics = [#tpu.dimension_semantics<arbitrary>], iteration_bounds = array<i64: 128>, scalar_prefetch = 0 : i64, scratch_operands = 0 : i64, tpu.core_type = #tpu.core_type<tc>, window_params = [{transform_indices = @transform_0, window_bounds = array<i64: 1280, 128>}, {transform_indices = @transform_1, window_bounds = array<i64: 1280, 128>}, {transform_indices = @transform_2, window_bounds = array<i64: 1280, 16>}, {pipeline_mode = #tpu.pipeline_mode<synchronous>, transform_indices = @transform_3, window_bounds = array<i64: 128, 16>}, {pipeline_mode = #tpu.pipeline_mode<synchronous>, transform_indices = @transform_4, window_bounds = array<i64: 128, 16>}, {pipeline_mode = #tpu.pipeline_mode<synchronous>, transform_indices = @transform_5, window_bounds = array<i64: 16, 16>}, {pipeline_mode = #tpu.pipeline_mode<synchronous>, transform_indices = @transform_6, window_bounds = array<i64: 1, 16>}, {pipeline_mode = #tpu.pipeline_mode<synchronous>, transform_indices = @transform_7, window_bounds = array<i64: 1, 16>}, {pipeline_mode = #tpu.pipeline_mode<synchronous>, transform_indices = @transform_8, window_bounds = array<i64: 1, 16>}, {pipeline_mode = #tpu.pipeline_mode<synchronous>, transform_indices = @transform_9, window_bounds = array<i64: 16, 128>}, {pipeline_mode = #tpu.pipeline_mode<synchronous>, transform_indices = @transform_10, window_bounds = array<i64: 1, 128>}, {transform_indices = @transform_11, window_bounds = array<i64: 1>}, {transform_indices = @transform_12, window_bounds = array<i64: 1280, 16>}, {transform_indices = @transform_13, window_bounds = array<i64: 1280, 128>}, {transform_indices = @transform_14, window_bounds = array<i64: 1280, 128>}]} {
    %get3A = arith.constant 0 : index
    %get3A_0 = arith.constant 0 : index
    %get3A_1 = vector.load %arg1[%get3A, %get3A_0] : memref<1280x128xf32, #tpu.memory_space<vmem>>, vector<1280x128xf32>
    %get3A_2 = arith.constant 0 : index
    %get3A_3 = arith.constant 0 : index
    %get3A_4 = vector.load %arg3[%get3A_2, %get3A_3] : memref<1280x16xf32, #tpu.memory_space<vmem>>, vector<1280x16xf32>
    %get3A_5 = arith.constant 0 : index
    %get3A_6 = arith.constant 0 : index
    %get3A_7 = vector.load %arg4[%get3A_5, %get3A_6] : memref<128x16xf32, #tpu.memory_space<vmem>>, vector<128x16xf32>
    %dot_general3A = arith.constant dense<0.000000e+00> : vector<1280x16xf32>
    %dot_general3A_8 = tpu.matmul %get3A_1, %get3A_7, %dot_general3A {dimension_numbers = #tpu.dot_dimension_numbers<[1], [0], [0], [1], [0, 0, 1, 1], [], []>, transpose_lhs_hint = false} : vector<1280x128xf32>, vector<128x16xf32>, vector<1280x16xf32> -> vector<1280x16xf32>
    %get3A_9 = arith.constant 0 : index
    %get3A_10 = arith.constant 0 : index
    %get3A_11 = vector.load %arg2[%get3A_9, %get3A_10] : memref<1280x128xf32, #tpu.memory_space<vmem>>, vector<1280x128xf32>
    %get3A_12 = arith.constant 0 : index
    %get3A_13 = arith.constant 0 : index
    %get3A_14 = vector.load %arg5[%get3A_12, %get3A_13] : memref<128x16xf32, #tpu.memory_space<vmem>>, vector<128x16xf32>
    %dot_general3A_15 = arith.constant dense<0.000000e+00> : vector<1280x16xf32>
    %dot_general3A_16 = tpu.matmul %get3A_11, %get3A_14, %dot_general3A_15 {dimension_numbers = #tpu.dot_dimension_numbers<[1], [0], [0], [1], [0, 0, 1, 1], [], []>, transpose_lhs_hint = false} : vector<1280x128xf32>, vector<128x16xf32>, vector<1280x16xf32> -> vector<1280x16xf32>
    %add3A = arith.addf %dot_general3A_8, %dot_general3A_16 : vector<1280x16xf32>
    %get3A_17 = arith.constant 0 : index
    %get3A_18 = arith.constant 0 : index
    %get3A_19 = vector.load %arg6[%get3A_17, %get3A_18] : memref<16x16xf32, #tpu.memory_space<vmem>>, vector<16x16xf32>
    %dot_general3A_20 = arith.constant dense<0.000000e+00> : vector<1280x16xf32>
    %dot_general3A_21 = tpu.matmul %get3A_4, %get3A_19, %dot_general3A_20 {dimension_numbers = #tpu.dot_dimension_numbers<[1], [0], [0], [1], [0, 0, 1, 1], [], []>, transpose_lhs_hint = false} : vector<1280x16xf32>, vector<16x16xf32>, vector<1280x16xf32> -> vector<1280x16xf32>
    %add3A_22 = arith.addf %add3A, %dot_general3A_21 : vector<1280x16xf32>
    %get3A_23 = arith.constant 0 : index
    %get3A_24 = arith.constant 0 : index
    %get3A_25 = vector.load %arg7[%get3A_23, %get3A_24] : memref<1x16xf32, #tpu.memory_space<vmem>>, vector<1x16xf32>
    %add3A_26 = vector.broadcast %get3A_25 : vector<1x16xf32> to vector<1280x16xf32>
    %add3A_27 = arith.addf %add3A_22, %add3A_26 : vector<1280x16xf32>
    %max3A = arith.constant 0.000000e+00 : f32
    %max3A_28 = vector.broadcast %max3A : f32 to vector<1280x16xf32>
    %max3A_29 = arith.maximumf %add3A_27, %max3A_28 : vector<1280x16xf32>
    %reduce_sum3A = arith.constant dense<0.000000e+00> : vector<1280xf32>
    %reduce_sum3A_30 = vector.multi_reduction <add>, %max3A_29, %reduce_sum3A [1] : vector<1280x16xf32> to vector<1280xf32>
    %broadcast_in_dim3A = vector.shape_cast %reduce_sum3A_30 : vector<1280xf32> to vector<1280x1xf32>
    %div3A = arith.constant 1.600000e+01 : f32
    %div3A_31 = vector.broadcast %div3A : f32 to vector<1280x1xf32>
    %div3A_32 = arith.divf %broadcast_in_dim3A, %div3A_31 : vector<1280x1xf32>
    %sub3A = vector.broadcast %div3A_32 : vector<1280x1xf32> to vector<1280x16xf32>
    %sub3A_33 = arith.subf %max3A_29, %sub3A : vector<1280x16xf32>
    %sub3A_34 = vector.broadcast %div3A_32 : vector<1280x1xf32> to vector<1280x16xf32>
    %sub3A_35 = arith.subf %max3A_29, %sub3A_34 : vector<1280x16xf32>
    %mul3A = arith.mulf %sub3A_33, %sub3A_35 : vector<1280x16xf32>
    %reduce_sum3A_36 = arith.constant dense<0.000000e+00> : vector<1280xf32>
    %reduce_sum3A_37 = vector.multi_reduction <add>, %mul3A, %reduce_sum3A_36 [1] : vector<1280x16xf32> to vector<1280xf32>
    %broadcast_in_dim3A_38 = vector.shape_cast %reduce_sum3A_37 : vector<1280xf32> to vector<1280x1xf32>
    %div3A_39 = arith.constant 1.600000e+01 : f32
    %div3A_40 = vector.broadcast %div3A_39 : f32 to vector<1280x1xf32>
    %div3A_41 = arith.divf %broadcast_in_dim3A_38, %div3A_40 : vector<1280x1xf32>
    %sub3A_42 = vector.broadcast %div3A_32 : vector<1280x1xf32> to vector<1280x16xf32>
    %sub3A_43 = arith.subf %max3A_29, %sub3A_42 : vector<1280x16xf32>
    %add3A_44 = arith.constant 9.99999974E-6 : f32
    %add3A_45 = vector.broadcast %add3A_44 : f32 to vector<1280x1xf32>
    %add3A_46 = arith.addf %div3A_41, %add3A_45 : vector<1280x1xf32>
    %sqrt3A = math.sqrt %add3A_46 : vector<1280x1xf32>
    %div3A_47 = vector.broadcast %sqrt3A : vector<1280x1xf32> to vector<1280x16xf32>
    %div3A_48 = arith.divf %sub3A_43, %div3A_47 : vector<1280x16xf32>
    %get3A_49 = arith.constant 0 : index
    %get3A_50 = arith.constant 0 : index
    %get3A_51 = vector.load %arg8[%get3A_49, %get3A_50] : memref<1x16xf32, #tpu.memory_space<vmem>>, vector<1x16xf32>
    %mul3A_52 = vector.broadcast %get3A_51 : vector<1x16xf32> to vector<1280x16xf32>
    %mul3A_53 = arith.mulf %div3A_48, %mul3A_52 : vector<1280x16xf32>
    %get3A_54 = arith.constant 0 : index
    %get3A_55 = arith.constant 0 : index
    %get3A_56 = vector.load %arg9[%get3A_54, %get3A_55] : memref<1x16xf32, #tpu.memory_space<vmem>>, vector<1x16xf32>
    %add3A_57 = vector.broadcast %get3A_56 : vector<1x16xf32> to vector<1280x16xf32>
    %add3A_58 = arith.addf %mul3A_53, %add3A_57 : vector<1280x16xf32>
    %add3A_59 = arith.addf %add3A_58, %get3A_4 : vector<1280x16xf32>
    %swap3A = arith.constant 0 : index
    %swap3A_60 = arith.constant 0 : index
    %swap3A_61 = vector.load %arg13[%swap3A, %swap3A_60] : memref<1280x16xf32, #tpu.memory_space<vmem>>, vector<1280x16xf32>
    tpu.vector_store %arg13[%swap3A, %swap3A_60], %add3A_59 {strides = array<i32>} : memref<1280x16xf32, #tpu.memory_space<vmem>>, vector<1280x16xf32>,
    %get3A_62 = arith.constant 0 : index
    %get3A_63 = arith.constant 0 : index
    %get3A_64 = vector.load %arg10[%get3A_62, %get3A_63] : memref<16x128xf32, #tpu.memory_space<vmem>>, vector<16x128xf32>
    %dot_general3A_65 = arith.constant dense<0.000000e+00> : vector<1280x128xf32>
    %dot_general3A_66 = tpu.matmul %add3A_59, %get3A_64, %dot_general3A_65 {dimension_numbers = #tpu.dot_dimension_numbers<[1], [0], [0], [1], [0, 0, 1, 1], [], []>, transpose_lhs_hint = false} : vector<1280x16xf32>, vector<16x128xf32>, vector<1280x128xf32> -> vector<1280x128xf32>
    %get3A_67 = arith.constant 0 : index
    %get3A_68 = arith.constant 0 : index
    %get3A_69 = vector.load %arg11[%get3A_67, %get3A_68] : memref<1x128xf32, #tpu.memory_space<vmem>>, vector<1x128xf32>
    %add3A_70 = vector.broadcast %get3A_69 : vector<1x128xf32> to vector<1280x128xf32>
    %add3A_71 = arith.addf %dot_general3A_66, %add3A_70 : vector<1280x128xf32>
    %add3A_72 = arith.addf %get3A_1, %add3A_71 : vector<1280x128xf32>
    %max3A_73 = arith.constant 0.000000e+00 : f32
    %max3A_74 = vector.broadcast %max3A_73 : f32 to vector<1280x128xf32>
    %max3A_75 = arith.maximumf %add3A_72, %max3A_74 : vector<1280x128xf32>
    %add3A_76 = arith.constant 1.000000e-07 : f32
    %add3A_77 = vector.broadcast %add3A_76 : f32 to vector<1280x128xf32>
    %add3A_78 = arith.addf %max3A_75, %add3A_77 : vector<1280x128xf32>
    %get3A_79 = arith.constant 0 : index
    %get3A_80 = memref.load %arg12[%get3A_79] : memref<1xf32, #tpu.memory_space<smem>>
    %mul3A_81 = vector.broadcast %get3A_80 : f32 to vector<1280x128xf32>
    %mul3A_82 = arith.mulf %add3A_78, %mul3A_81 : vector<1280x128xf32>
    %exp3A = math.exp %mul3A_82 : vector<1280x128xf32>
    %swap3A_83 = arith.constant 0 : index
    %swap3A_84 = arith.constant 0 : index
    %swap3A_85 = vector.load %arg14[%swap3A_83, %swap3A_84] : memref<1280x128xf32, #tpu.memory_space<vmem>>, vector<1280x128xf32>
    tpu.vector_store %arg14[%swap3A_83, %swap3A_84], %exp3A {strides = array<i32>} : memref<1280x128xf32, #tpu.memory_space<vmem>>, vector<1280x128xf32>,
    %mul3A_86 = arith.mulf %exp3A, %add3A_78 : vector<1280x128xf32>
    %swap3A_87 = arith.constant 0 : index
    %swap3A_88 = arith.constant 0 : index
    %swap3A_89 = vector.load %arg15[%swap3A_87, %swap3A_88] : memref<1280x128xf32, #tpu.memory_space<vmem>>, vector<1280x128xf32>
    tpu.vector_store %arg15[%swap3A_87, %swap3A_88], %mul3A_86 {strides = array<i32>} : memref<1280x128xf32, #tpu.memory_space<vmem>>, vector<1280x128xf32>,
    return
  }
  func.func @transform_0(%arg0: i32) -> (i32, i32) {
    %c0_i32 = arith.constant 0 : i32
    %c0_i32_0 = arith.constant 0 : i32
    return %arg0, %c0_i32 : i32, i32
  }
  func.func @transform_1(%arg0: i32) -> (i32, i32) {
    %c0_i32 = arith.constant 0 : i32
    %c0_i32_0 = arith.constant 0 : i32
    return %arg0, %c0_i32 : i32, i32
  }
  func.func @transform_2(%arg0: i32) -> (i32, i32) {
    %c0_i32 = arith.constant 0 : i32
    %c0_i32_0 = arith.constant 0 : i32
    return %arg0, %c0_i32 : i32, i32
  }
  func.func @transform_3(%arg0: i32) -> (i32, i32) {
    %c0_i32 = arith.constant 0 : i32
    %c0_i32_0 = arith.constant 0 : i32
    %c0_i32_1 = arith.constant 0 : i32
    return %c0_i32, %c0_i32_0 : i32, i32
  }
  func.func @transform_4(%arg0: i32) -> (i32, i32) {
    %c0_i32 = arith.constant 0 : i32
    %c0_i32_0 = arith.constant 0 : i32
    %c0_i32_1 = arith.constant 0 : i32
    return %c0_i32, %c0_i32_0 : i32, i32
  }
  func.func @transform_5(%arg0: i32) -> (i32, i32) {
    %c0_i32 = arith.constant 0 : i32
    %c0_i32_0 = arith.constant 0 : i32
    %c0_i32_1 = arith.constant 0 : i32
    return %c0_i32, %c0_i32_0 : i32, i32
  }
  func.func @transform_6(%arg0: i32) -> (i32, i32) {
    %c0_i32 = arith.constant 0 : i32
    %c0_i32_0 = arith.constant 0 : i32
    %c0_i32_1 = arith.constant 0 : i32
    return %c0_i32, %c0_i32_0 : i32, i32
  }
  func.func @transform_7(%arg0: i32) -> (i32, i32) {
    %c0_i32 = arith.constant 0 : i32
    %c0_i32_0 = arith.constant 0 : i32
    %c0_i32_1 = arith.constant 0 : i32
    return %c0_i32, %c0_i32_0 : i32, i32
  }
  func.func @transform_8(%arg0: i32) -> (i32, i32) {
    %c0_i32 = arith.constant 0 : i32
    %c0_i32_0 = arith.constant 0 : i32
    %c0_i32_1 = arith.constant 0 : i32
    return %c0_i32, %c0_i32_0 : i32, i32
  }
  func.func @transform_9(%arg0: i32) -> (i32, i32) {
    %c0_i32 = arith.constant 0 : i32
    %c0_i32_0 = arith.constant 0 : i32
    %c0_i32_1 = arith.constant 0 : i32
    return %c0_i32, %c0_i32_0 : i32, i32
  }
  func.func @transform_10(%arg0: i32) -> (i32, i32) {
    %c0_i32 = arith.constant 0 : i32
    %c0_i32_0 = arith.constant 0 : i32
    %c0_i32_1 = arith.constant 0 : i32
    return %c0_i32, %c0_i32_0 : i32, i32
  }
  func.func @transform_11(%arg0: i32) -> i32 {
    %c0_i32 = arith.constant 0 : i32
    %c0_i32_0 = arith.constant 0 : i32
    return %c0_i32 : i32
  }
  func.func @transform_12(%arg0: i32) -> (i32, i32) {
    %c0_i32 = arith.constant 0 : i32
    %c0_i32_0 = arith.constant 0 : i32
    return %arg0, %c0_i32 : i32, i32
  }
  func.func @transform_13(%arg0: i32) -> (i32, i32) {
    %c0_i32 = arith.constant 0 : i32
    %c0_i32_0 = arith.constant 0 : i32
    return %arg0, %c0_i32 : i32, i32
  }
  func.func @transform_14(%arg0: i32) -> (i32, i32) {
    %c0_i32 = arith.constant 0 : i32
    %c0_i32_0 = arith.constant 0 : i32
    return %arg0, %c0_i32 : i32, i32
  }
}

module attributes {stable_mosaic.version = 14 : i64} {
  func.func @_node_kernel(%arg0: i32, %arg1: memref<80x128xf32, #tpu.memory_space<vmem>>, %arg2: memref<80x128xf32, #tpu.memory_space<vmem>>, %arg3: memref<80x128xf32, #tpu.memory_space<vmem>>, %arg4: memref<80x128xf32, #tpu.memory_space<vmem>>, %arg5: memref<80x128xf32, #tpu.memory_space<vmem>>, %arg6: memref<128x256xf32, #tpu.memory_space<vmem>>, %arg7: memref<1x256xf32, #tpu.memory_space<vmem>>, %arg8: memref<1x256xf32, #tpu.memory_space<vmem>>, %arg9: memref<1x256xf32, #tpu.memory_space<vmem>>, %arg10: memref<256x128xf32, #tpu.memory_space<vmem>>, %arg11: memref<1x128xf32, #tpu.memory_space<vmem>>, %arg12: memref<1xf32, #tpu.memory_space<smem>>, %arg13: memref<1x128xf32, #tpu.memory_space<vmem>>, %arg14: memref<1x128xf32, #tpu.memory_space<vmem>>, %arg15: memref<80x128xf32, #tpu.memory_space<vmem>>) attributes {dimension_semantics = [#tpu.dimension_semantics<arbitrary>], iteration_bounds = array<i64: 125>, scalar_prefetch = 0 : i64, scratch_operands = 0 : i64, tpu.core_type = #tpu.core_type<tc>, window_params = [{transform_indices = @transform_0, window_bounds = array<i64: 80, 128>}, {transform_indices = @transform_1, window_bounds = array<i64: 80, 128>}, {transform_indices = @transform_2, window_bounds = array<i64: 80, 128>}, {transform_indices = @transform_3, window_bounds = array<i64: 80, 128>}, {transform_indices = @transform_4, window_bounds = array<i64: 80, 128>}, {pipeline_mode = #tpu.pipeline_mode<synchronous>, transform_indices = @transform_5, window_bounds = array<i64: 128, 256>}, {pipeline_mode = #tpu.pipeline_mode<synchronous>, transform_indices = @transform_6, window_bounds = array<i64: 1, 256>}, {pipeline_mode = #tpu.pipeline_mode<synchronous>, transform_indices = @transform_7, window_bounds = array<i64: 1, 256>}, {pipeline_mode = #tpu.pipeline_mode<synchronous>, transform_indices = @transform_8, window_bounds = array<i64: 1, 256>}, {pipeline_mode = #tpu.pipeline_mode<synchronous>, transform_indices = @transform_9, window_bounds = array<i64: 256, 128>}, {pipeline_mode = #tpu.pipeline_mode<synchronous>, transform_indices = @transform_10, window_bounds = array<i64: 1, 128>}, {transform_indices = @transform_11, window_bounds = array<i64: 1>}, {pipeline_mode = #tpu.pipeline_mode<synchronous>, transform_indices = @transform_12, window_bounds = array<i64: 1, 128>}, {pipeline_mode = #tpu.pipeline_mode<synchronous>, transform_indices = @transform_13, window_bounds = array<i64: 1, 128>}, {transform_indices = @transform_14, window_bounds = array<i64: 80, 128>}]} {
    %get3A = arith.constant 0 : index
    %get3A_0 = arith.constant 0 : index
    %get3A_1 = vector.load %arg1[%get3A, %get3A_0] : memref<80x128xf32, #tpu.memory_space<vmem>>, vector<80x128xf32>
    %get3A_2 = arith.constant 0 : index
    %get3A_3 = arith.constant 0 : index
    %get3A_4 = vector.load %arg4[%get3A_2, %get3A_3] : memref<80x128xf32, #tpu.memory_space<vmem>>, vector<80x128xf32>
    %get3A_5 = arith.constant 0 : index
    %get3A_6 = arith.constant 0 : index
    %get3A_7 = vector.load %arg5[%get3A_5, %get3A_6] : memref<80x128xf32, #tpu.memory_space<vmem>>, vector<80x128xf32>
    %add3A = arith.addf %get3A_4, %get3A_7 : vector<80x128xf32>
    %get3A_8 = arith.constant 0 : index
    %get3A_9 = arith.constant 0 : index
    %get3A_10 = vector.load %arg2[%get3A_8, %get3A_9] : memref<80x128xf32, #tpu.memory_space<vmem>>, vector<80x128xf32>
    %get3A_11 = arith.constant 0 : index
    %get3A_12 = arith.constant 0 : index
    %get3A_13 = vector.load %arg3[%get3A_11, %get3A_12] : memref<80x128xf32, #tpu.memory_space<vmem>>, vector<80x128xf32>
    %add3A_14 = arith.addf %get3A_10, %get3A_13 : vector<80x128xf32>
    %add3A_15 = arith.constant 1.000000e-16 : f32
    %add3A_16 = vector.broadcast %add3A_15 : f32 to vector<80x128xf32>
    %add3A_17 = arith.addf %add3A_14, %add3A_16 : vector<80x128xf32>
    %div3A = arith.divf %add3A, %add3A_17 : vector<80x128xf32>
    %add3A_18 = arith.addf %get3A_1, %div3A : vector<80x128xf32>
    %get3A_19 = arith.constant 0 : index
    %get3A_20 = arith.constant 0 : index
    %get3A_21 = vector.load %arg6[%get3A_19, %get3A_20] : memref<128x256xf32, #tpu.memory_space<vmem>>, vector<128x256xf32>
    %dot_general3A = arith.constant dense<0.000000e+00> : vector<80x256xf32>
    %dot_general3A_22 = tpu.matmul %add3A_18, %get3A_21, %dot_general3A {dimension_numbers = #tpu.dot_dimension_numbers<[1], [0], [0], [1], [0, 0, 1, 1], [], []>, transpose_lhs_hint = false} : vector<80x128xf32>, vector<128x256xf32>, vector<80x256xf32> -> vector<80x256xf32>
    %get3A_23 = arith.constant 0 : index
    %get3A_24 = arith.constant 0 : index
    %get3A_25 = vector.load %arg7[%get3A_23, %get3A_24] : memref<1x256xf32, #tpu.memory_space<vmem>>, vector<1x256xf32>
    %add3A_26 = vector.broadcast %get3A_25 : vector<1x256xf32> to vector<80x256xf32>
    %add3A_27 = arith.addf %dot_general3A_22, %add3A_26 : vector<80x256xf32>
    %sqrt3A = arith.constant 1.000010e+00 : f32
    %sqrt3A_28 = math.sqrt %sqrt3A : f32
    %div3A_29 = vector.broadcast %sqrt3A_28 : f32 to vector<80x256xf32>
    %div3A_30 = arith.divf %add3A_27, %div3A_29 : vector<80x256xf32>
    %get3A_31 = arith.constant 0 : index
    %get3A_32 = arith.constant 0 : index
    %get3A_33 = vector.load %arg8[%get3A_31, %get3A_32] : memref<1x256xf32, #tpu.memory_space<vmem>>, vector<1x256xf32>
    %mul3A = vector.broadcast %get3A_33 : vector<1x256xf32> to vector<80x256xf32>
    %mul3A_34 = arith.mulf %div3A_30, %mul3A : vector<80x256xf32>
    %get3A_35 = arith.constant 0 : index
    %get3A_36 = arith.constant 0 : index
    %get3A_37 = vector.load %arg9[%get3A_35, %get3A_36] : memref<1x256xf32, #tpu.memory_space<vmem>>, vector<1x256xf32>
    %add3A_38 = vector.broadcast %get3A_37 : vector<1x256xf32> to vector<80x256xf32>
    %add3A_39 = arith.addf %mul3A_34, %add3A_38 : vector<80x256xf32>
    %max3A = arith.constant 0.000000e+00 : f32
    %max3A_40 = vector.broadcast %max3A : f32 to vector<80x256xf32>
    %max3A_41 = arith.maximumf %add3A_39, %max3A_40 : vector<80x256xf32>
    %get3A_42 = arith.constant 0 : index
    %get3A_43 = arith.constant 0 : index
    %get3A_44 = vector.load %arg10[%get3A_42, %get3A_43] : memref<256x128xf32, #tpu.memory_space<vmem>>, vector<256x128xf32>
    %dot_general3A_45 = arith.constant dense<0.000000e+00> : vector<80x128xf32>
    %dot_general3A_46 = tpu.matmul %max3A_41, %get3A_44, %dot_general3A_45 {dimension_numbers = #tpu.dot_dimension_numbers<[1], [0], [0], [1], [0, 0, 1, 1], [], []>, transpose_lhs_hint = false} : vector<80x256xf32>, vector<256x128xf32>, vector<80x128xf32> -> vector<80x128xf32>
    %get3A_47 = arith.constant 0 : index
    %get3A_48 = arith.constant 0 : index
    %get3A_49 = vector.load %arg11[%get3A_47, %get3A_48] : memref<1x128xf32, #tpu.memory_space<vmem>>, vector<1x128xf32>
    %add3A_50 = vector.broadcast %get3A_49 : vector<1x128xf32> to vector<80x128xf32>
    %add3A_51 = arith.addf %dot_general3A_46, %add3A_50 : vector<80x128xf32>
    %mul3A_52 = arith.mulf %add3A_51, %add3A_51 : vector<80x128xf32>
    %reduce_sum3A = arith.constant dense<0.000000e+00> : vector<80xf32>
    %reduce_sum3A_53 = vector.multi_reduction <add>, %mul3A_52, %reduce_sum3A [1] : vector<80x128xf32> to vector<80xf32>
    %broadcast_in_dim3A = vector.shape_cast %reduce_sum3A_53 : vector<80xf32> to vector<80x1xf32>
    %sqrt3A_54 = math.sqrt %broadcast_in_dim3A : vector<80x1xf32>
    %max3A_55 = arith.constant 9.99999996E-13 : f32
    %max3A_56 = vector.broadcast %max3A_55 : f32 to vector<80x1xf32>
    %max3A_57 = arith.maximumf %sqrt3A_54, %max3A_56 : vector<80x1xf32>
    %div3A_58 = vector.broadcast %max3A_57 : vector<80x1xf32> to vector<80x128xf32>
    %div3A_59 = arith.divf %add3A_51, %div3A_58 : vector<80x128xf32>
    %mul3A_60 = arith.mulf %get3A_1, %get3A_1 : vector<80x128xf32>
    %reduce_sum3A_61 = arith.constant dense<0.000000e+00> : vector<80xf32>
    %reduce_sum3A_62 = vector.multi_reduction <add>, %mul3A_60, %reduce_sum3A_61 [1] : vector<80x128xf32> to vector<80xf32>
    %broadcast_in_dim3A_63 = vector.shape_cast %reduce_sum3A_62 : vector<80xf32> to vector<80x1xf32>
    %sqrt3A_64 = math.sqrt %broadcast_in_dim3A_63 : vector<80x1xf32>
    %mul3A_65 = vector.broadcast %sqrt3A_64 : vector<80x1xf32> to vector<80x128xf32>
    %mul3A_66 = arith.mulf %div3A_59, %mul3A_65 : vector<80x128xf32>
    %get3A_67 = arith.constant 0 : index
    %get3A_68 = memref.load %arg12[%get3A_67] : memref<1xf32, #tpu.memory_space<smem>>
    %mul3A_69 = vector.broadcast %get3A_68 : f32 to vector<80x128xf32>
    %mul3A_70 = arith.mulf %mul3A_66, %mul3A_69 : vector<80x128xf32>
    %add3A_71 = arith.addf %get3A_1, %mul3A_70 : vector<80x128xf32>
    %reduce_sum3A_72 = arith.constant dense<0.000000e+00> : vector<80xf32>
    %reduce_sum3A_73 = vector.multi_reduction <add>, %add3A_71, %reduce_sum3A_72 [1] : vector<80x128xf32> to vector<80xf32>
    %broadcast_in_dim3A_74 = vector.shape_cast %reduce_sum3A_73 : vector<80xf32> to vector<80x1xf32>
    %div3A_75 = arith.constant 1.280000e+02 : f32
    %div3A_76 = vector.broadcast %div3A_75 : f32 to vector<80x1xf32>
    %div3A_77 = arith.divf %broadcast_in_dim3A_74, %div3A_76 : vector<80x1xf32>
    %sub3A = vector.broadcast %div3A_77 : vector<80x1xf32> to vector<80x128xf32>
    %sub3A_78 = arith.subf %add3A_71, %sub3A : vector<80x128xf32>
    %sub3A_79 = vector.broadcast %div3A_77 : vector<80x1xf32> to vector<80x128xf32>
    %sub3A_80 = arith.subf %add3A_71, %sub3A_79 : vector<80x128xf32>
    %mul3A_81 = arith.mulf %sub3A_78, %sub3A_80 : vector<80x128xf32>
    %reduce_sum3A_82 = arith.constant dense<0.000000e+00> : vector<80xf32>
    %reduce_sum3A_83 = vector.multi_reduction <add>, %mul3A_81, %reduce_sum3A_82 [1] : vector<80x128xf32> to vector<80xf32>
    %broadcast_in_dim3A_84 = vector.shape_cast %reduce_sum3A_83 : vector<80xf32> to vector<80x1xf32>
    %div3A_85 = arith.constant 1.280000e+02 : f32
    %div3A_86 = vector.broadcast %div3A_85 : f32 to vector<80x1xf32>
    %div3A_87 = arith.divf %broadcast_in_dim3A_84, %div3A_86 : vector<80x1xf32>
    %sub3A_88 = vector.broadcast %div3A_77 : vector<80x1xf32> to vector<80x128xf32>
    %sub3A_89 = arith.subf %add3A_71, %sub3A_88 : vector<80x128xf32>
    %add3A_90 = arith.constant 9.99999974E-6 : f32
    %add3A_91 = vector.broadcast %add3A_90 : f32 to vector<80x1xf32>
    %add3A_92 = arith.addf %div3A_87, %add3A_91 : vector<80x1xf32>
    %sqrt3A_93 = math.sqrt %add3A_92 : vector<80x1xf32>
    %div3A_94 = vector.broadcast %sqrt3A_93 : vector<80x1xf32> to vector<80x128xf32>
    %div3A_95 = arith.divf %sub3A_89, %div3A_94 : vector<80x128xf32>
    %get3A_96 = arith.constant 0 : index
    %get3A_97 = arith.constant 0 : index
    %get3A_98 = vector.load %arg13[%get3A_96, %get3A_97] : memref<1x128xf32, #tpu.memory_space<vmem>>, vector<1x128xf32>
    %mul3A_99 = vector.broadcast %get3A_98 : vector<1x128xf32> to vector<80x128xf32>
    %mul3A_100 = arith.mulf %div3A_95, %mul3A_99 : vector<80x128xf32>
    %get3A_101 = arith.constant 0 : index
    %get3A_102 = arith.constant 0 : index
    %get3A_103 = vector.load %arg14[%get3A_101, %get3A_102] : memref<1x128xf32, #tpu.memory_space<vmem>>, vector<1x128xf32>
    %add3A_104 = vector.broadcast %get3A_103 : vector<1x128xf32> to vector<80x128xf32>
    %add3A_105 = arith.addf %mul3A_100, %add3A_104 : vector<80x128xf32>
    %swap3A = arith.constant 0 : index
    %swap3A_106 = arith.constant 0 : index
    %swap3A_107 = vector.load %arg15[%swap3A, %swap3A_106] : memref<80x128xf32, #tpu.memory_space<vmem>>, vector<80x128xf32>
    tpu.vector_store %arg15[%swap3A, %swap3A_106], %add3A_105 {strides = array<i32>} : memref<80x128xf32, #tpu.memory_space<vmem>>, vector<80x128xf32>,
    return
  }
  func.func @transform_0(%arg0: i32) -> (i32, i32) {
    %c0_i32 = arith.constant 0 : i32
    %c0_i32_0 = arith.constant 0 : i32
    return %arg0, %c0_i32 : i32, i32
  }
  func.func @transform_1(%arg0: i32) -> (i32, i32) {
    %c0_i32 = arith.constant 0 : i32
    %c0_i32_0 = arith.constant 0 : i32
    return %arg0, %c0_i32 : i32, i32
  }
  func.func @transform_2(%arg0: i32) -> (i32, i32) {
    %c0_i32 = arith.constant 0 : i32
    %c0_i32_0 = arith.constant 0 : i32
    return %arg0, %c0_i32 : i32, i32
  }
  func.func @transform_3(%arg0: i32) -> (i32, i32) {
    %c0_i32 = arith.constant 0 : i32
    %c0_i32_0 = arith.constant 0 : i32
    return %arg0, %c0_i32 : i32, i32
  }
  func.func @transform_4(%arg0: i32) -> (i32, i32) {
    %c0_i32 = arith.constant 0 : i32
    %c0_i32_0 = arith.constant 0 : i32
    return %arg0, %c0_i32 : i32, i32
  }
  func.func @transform_5(%arg0: i32) -> (i32, i32) {
    %c0_i32 = arith.constant 0 : i32
    %c0_i32_0 = arith.constant 0 : i32
    %c0_i32_1 = arith.constant 0 : i32
    return %c0_i32, %c0_i32_0 : i32, i32
  }
  func.func @transform_6(%arg0: i32) -> (i32, i32) {
    %c0_i32 = arith.constant 0 : i32
    %c0_i32_0 = arith.constant 0 : i32
    %c0_i32_1 = arith.constant 0 : i32
    return %c0_i32, %c0_i32_0 : i32, i32
  }
  func.func @transform_7(%arg0: i32) -> (i32, i32) {
    %c0_i32 = arith.constant 0 : i32
    %c0_i32_0 = arith.constant 0 : i32
    %c0_i32_1 = arith.constant 0 : i32
    return %c0_i32, %c0_i32_0 : i32, i32
  }
  func.func @transform_8(%arg0: i32) -> (i32, i32) {
    %c0_i32 = arith.constant 0 : i32
    %c0_i32_0 = arith.constant 0 : i32
    %c0_i32_1 = arith.constant 0 : i32
    return %c0_i32, %c0_i32_0 : i32, i32
  }
  func.func @transform_9(%arg0: i32) -> (i32, i32) {
    %c0_i32 = arith.constant 0 : i32
    %c0_i32_0 = arith.constant 0 : i32
    %c0_i32_1 = arith.constant 0 : i32
    return %c0_i32, %c0_i32_0 : i32, i32
  }
  func.func @transform_10(%arg0: i32) -> (i32, i32) {
    %c0_i32 = arith.constant 0 : i32
    %c0_i32_0 = arith.constant 0 : i32
    %c0_i32_1 = arith.constant 0 : i32
    return %c0_i32, %c0_i32_0 : i32, i32
  }
  func.func @transform_11(%arg0: i32) -> i32 {
    %c0_i32 = arith.constant 0 : i32
    %c0_i32_0 = arith.constant 0 : i32
    return %c0_i32 : i32
  }
  func.func @transform_12(%arg0: i32) -> (i32, i32) {
    %c0_i32 = arith.constant 0 : i32
    %c0_i32_0 = arith.constant 0 : i32
    %c0_i32_1 = arith.constant 0 : i32
    return %c0_i32, %c0_i32_0 : i32, i32
  }
  func.func @transform_13(%arg0: i32) -> (i32, i32) {
    %c0_i32 = arith.constant 0 : i32
    %c0_i32_0 = arith.constant 0 : i32
    %c0_i32_1 = arith.constant 0 : i32
    return %c0_i32, %c0_i32_0 : i32, i32
  }
  func.func @transform_14(%arg0: i32) -> (i32, i32) {
    %c0_i32 = arith.constant 0 : i32
    %c0_i32_0 = arith.constant 0 : i32
    return %arg0, %c0_i32 : i32, i32
  }
}

</mosaic_0001>

<sc_bundles>
// kernel: kernel.12.cloned.1.call-start
scs
__scs_entry_jumppad:
0x0: {  	(pc) =	sbr.rel $0x88, $3  }
0x1: {  	(tag) =	ssettag $0x0;
	lr =	simm.s32 $0x1  }
0x2: {  	[smem:$0x3F8E] =	sst lr;
	_ =	strace $0xD0000000  }
0x3: {  	_ = 	snop  }
0x4: {  	_ = 	snop  }
0x5: {  	_ = 	snop  }
0x6: {  	_ = 	snop  }
0x7: {  	_ = 	snop  }
__scs_overlays_trampoline_lowered:
0x8: {  	[smem:$0x3F9D] =	sst s0  }
0x9: {  	[smem:$0x3F9E] =	sst s1  }
0xa: {  	[smem:$0x3F9F] =	sst s2  }
0xb: {  	[smem:$0x3FA0] =	sst s3  }
0xc: {  	[smem:$0x3FA1] =	sst s4  }
0xd: {  	[smem:$0x3FA2] =	sst s5  }
0xe: {  	[smem:$0x3FA3] =	sst s6  }
0xf: {  	[smem:$0x3FA4] =	sst s7  }
0x10: {  	[smem:$0x3FA5] =	sst s8  }
0x11: {  	[smem:$0x3FA6] =	sst s9;
	s0 =	simm.s32 @!p0 $0x0  }
0x12: {  	s1 =	sld [smem:$0x3F8C];
	s0 =	simm.s32 @p0 $0x1  }
0x13: {  	[smem:$0x3FA7] =	sst s0;
	s0 =	simm.s32 @!p1 $0x0  }
0x14: {  	s2 =	sld [smem:$0x3F8B];
	s0 =	simm.s32 @p1 $0x1  }
0x15: {  	[smem:$0x3FA8] =	sst s0;
	s0 =	simm.s32 @!p2 $0x0  }
0x16: {  	s3 =	sld [smem:$0x3FDB];
	s0 =	simm.s32 @p2 $0x1  }
0x17: {  	s4 =	simm.s32 $0x1BF5;
	[smem:$0x3FAA] =	sst s0  }
0x18: {  	s0 =	sld [smem:$0x3F8D];
	_ =	swait.ge [sflag:s4], $0x0  }
0x19: {  	s7 =	sld [smem:$0x3F8E]  }
0x1a: {  	s8 =	sadd.s32 $0xFFFFE003, lr  }
0x1b: {  	s9 =	sadd.s32 $0xFFFFFEF7, lr;
	s5 =	simm.s32 $0xFFFFFFFF;
	p2 =	slt.u32 s8, $0xFFFFF086  }
0x1c: {  	p1 =	slt.u32 s9, $0xF7A;
	s5 =	simm.s32 @!p2 $0x0  }
0x1d: {  	s5 =	simm.s32 @p1 $0x1;
	p0 =	seq.s32 s7, s2  }
0x1e: {  	s7 =	smul.u32 @!p0 $0xF7A, s2;
	p2 =	seq.s32 @!p0 s5, $0x0  }
0x1f: {  	s9 =	smul.u32 $0xF7A, s1;
	s8 =	simm.s32 @!p0 $0x1BF5;
	p2 =	por !p2, p0  }
0x20: {  	[sflag:s8] =	ssyncset.s32 @!p0 $0xFFFFF086;
	s6 =	sadd.s32 @!p0 s3, s7;
	s7 =	simm.s32 @!p0 $0x108  }
0x21: {  	s3 =	sadd.s32 s3, s9;
	s6 =	sadd.s32 @!p0 $0x88, s6;
	s7 =	simm.s32 @p2 $0x1082  }
0x22: {  	[simem:s7], [sflag:s8] =	dma.local @!p0 [hbm:s6], $0xF7A  }
0x23: {  	s9 =	sor.u32 $0xD0000000, s2;
	s6 =	simm.s32 $0x108;
	_ =	swait.ge @!p0 [sflag:s8], $0x0  }
0x24: {  	s3 =	sadd.s32 $0x88, s3;
	s6 =	simm.s32 @!p1 $0x1082;
	[sflag:s4] =	ssyncset.s32 $0xFFFFF086  }
0x25: {  	[simem:s6], [sflag:s4] =	dma.local [hbm:s3], $0xF7A  }
0x26: {  	[smem:$0x3F8E] =	sst s1;
	(tag) =	ssettag s2;
	_ =	strace s9  }
0x27: {  	s1 =	sld [smem:$0x3F9E]  }
0x28: {  	s2 =	sld [smem:$0x3F9F]  }
0x29: {  	s4 =	sld [smem:$0x3FA1]  }
0x2a: {  	p0 =	seq.s32 s5, $0x0;
	s5 =	sld [smem:$0x3FA2]  }
0x2b: {  	s6 =	sld [smem:$0x3FA3]  }
0x2c: {  	s7 =	sld [smem:$0x3FA4]  }
0x2d: {  	s3 =	simm.s32 $0x108;
	s8 =	sld [smem:$0x3FA5]  }
0x2e: {  	s3 =	simm.s32 @!p0 $0x1082;
	s9 =	sld [smem:$0x3FA6]  }
0x2f: {  	lr =	sadd.s32 s0, s3;
	s0 =	sld [smem:$0x3F9D]  }
0x30: {  	s3 =	sld [smem:$0x3FA0]  }
0x31: {  	[smem:$0x3FA9] =	sst s10  }
0x32: {  	s10 =	sld [smem:$0x3FA7];
	_ =	sdelay $0x3  }
0x33: {  	p0 =	seq.s32 s10, $0x1;
	s10 =	sld [smem:$0x3FA9];
	_ =	sdelay $0x3  }
0x34: {  	[smem:$0x3FA9] =	sst s10  }
0x35: {  	s10 =	sld [smem:$0x3FA8];
	_ =	sdelay $0x3  }
0x36: {  	p1 =	seq.s32 s10, $0x1;
	s10 =	sld [smem:$0x3FA9];
	_ =	sdelay $0x3  }
0x37: {  	[smem:$0x3FA9] =	sst s10  }
0x38: {  	s10 =	sld [smem:$0x3FAA]  }
0x39: {  	_ = 	snop;
	(pc) =	sbr.ind lr, $3  }
0x3a: {  	_ = 	snop  }
0x3b: {  	_ = 	snop  }
0x3c: {  	p2 =	seq.s32 s10, $0x1;
	s10 =	sld [smem:$0x3FA9]  }
0x3d: {  	_ =	shalt  }
0x3e: {  	_ =	shalt  }
0x3f: {  	_ =	shalt  }
0x40: {  	_ =	shalt  }
0x41: {  	_ =	shalt  }
0x42: {  	_ =	shalt  }
0x43: {  	_ =	shalt  }
0x44: {  	_ =	shalt  }
0x45: {  	_ =	shalt  }
0x46: {  	_ =	shalt  }
0x47: {  	_ =	shalt  }
0x48: {  	_ =	shalt  }
0x49: {  	_ =	shalt  }
0x4a: {  	_ =	shalt  }
0x4b: {  	_ =	shalt  }
0x4c: {  	_ =	shalt  }
0x4d: {  	_ =	shalt  }
0x4e: {  	_ =	shalt  }
0x4f: {  	_ =	shalt  }
0x50: {  	_ =	shalt  }
0x51: {  	_ =	shalt  }
0x52: {  	_ =	shalt  }
0x53: {  	_ =	shalt  }
0x54: {  	_ =	shalt  }
0x55: {  	_ =	shalt  }
0x56: {  	_ =	shalt  }
0x57: {  	_ =	shalt  }
0x58: {  	_ =	shalt  }
0x59: {  	_ =	shalt  }
0x5a: {  	_ =	shalt  }
0x5b: {  	_ =	shalt  }
0x5c: {  	_ =	shalt  }
0x5d: {  	_ =	shalt  }
0x5e: {  	_ =	shalt  }
0x5f: {  	_ =	shalt  }
0x60: {  	_ =	shalt  }
0x61: {  	_ =	shalt  }
0x62: {  	_ =	shalt  }
0x63: {  	_ =	shalt  }
0x64: {  	_ =	shalt  }
0x65: {  	_ =	shalt  }
0x66: {  	_ =	shalt  }
0x67: {  	_ =	shalt  }
0x68: {  	_ =	shalt  }
0x69: {  	_ =	shalt  }
0x6a: {  	_ =	shalt  }
0x6b: {  	_ =	shalt  }
0x6c: {  	_ =	shalt  }
0x6d: {  	_ =	shalt  }
0x6e: {  	_ =	shalt  }
0x6f: {  	_ =	shalt  }
0x70: {  	_ =	shalt  }
0x71: {  	_ =	shalt  }
0x72: {  	_ =	shalt  }
0x73: {  	_ =	shalt  }
0x74: {  	_ =	shalt  }
0x75: {  	_ =	shalt  }
0x76: {  	_ =	shalt  }
0x77: {  	_ =	shalt  }
0x78: {  	_ =	shalt  }
0x79: {  	_ =	shalt  }
0x7a: {  	_ =	shalt  }
0x7b: {  	_ =	shalt  }
0x7c: {  	_ =	shalt  }
0x7d: {  	_ =	shalt  }
0x7e: {  	_ =	shalt  }
0x7f: {  	_ =	shalt  }
0x80: {  	_ =	shalt  }
0x81: {  	_ =	shalt  }
0x82: {  	_ =	shalt  }
0x83: {  	_ =	shalt  }
0x84: {  	_ =	shalt  }
0x85: {  	_ =	shalt  }
0x86: {  	_ =	shalt  }
0x87: {  	_ =	shalt  }
.Lfunc_end0:
.L_simem_size_0:
called_computation.1_lowered:
.L_overlay_start_0:
0x88: {  	s2 =	sld [smem:$0x3FD9]  }
0x89: {  	s3 =	sld [smem:$0x3FFE];
	_ =	sdelay $0x1  }
0x8a: {  	s1 =	srdreg.scid  }
0x8b: {  	s0 =	sand.u32 $0x1, s1  }
0x8c: {  	s14 =	sshll.u32 s0, $0xA;
	s2 =	sadd.s32 s3, s2  }
0x8d: {  	s2 =	sadd.s32 s2, s14  }
0x8e: {  	[smem:$0x3FB5] =	sst s2  }
0x8f: {  	_ = 	snop  }
0x90: {  	s2 =	sld [smem:$0x3FD0];
	_ =	sdelay $0x2  }
0x91: {  	s4 =	simm.s32 $0xB;
	s5 =	simm.s32 $0x10;
	s15 =	sld [smem:$0x3FC9]  }
0x92: {  	[smem:s5], [sflag:s4] =	dma.local [hbm:s2], $0x1  }
0x93: {  	_ =	swait.eq [sflag:s4], $0x1  }
0x94: {  	[sflag:s4] =	ssyncset.done $0x0  }
0x95: {  	[sflag:s4] =	ssyncadd.s32 $0xFFFFFFFF  }
0x96: {  	s16 =	sld [smem:$0x11];
	(tm) =	ssettm $0x1  }
0x97: {  	s17 =	sld [smem:$0x3FFB];
	_ =	sdelay $0x3  }
0x98: {  	_ =	strace s17  }
0x99: {  	s4 =	sld [smem:$0x3FFC];
	_ =	sdelay $0x3  }
0x9a: {  	_ =	strace s4  }
0x9b: {  	s4 =	sld [smem:$0x3FFD];
	_ =	sdelay $0x3  }
0x9c: {  	_ =	strace s4  }
0x9d: {  	_ =	strace $0x8FFFFFFF  }
0x9e: {  	s18 =	sld [smem:$0x3FDB];
	_ =	sdelay $0x1  }
0x9f: {  	s19 =	simm.s32 $_scs_section_size  }
0xa0: {  	s6 =	simm.s32 $_size__tile_overlayer_lowered;
	s7 =	simm.s32 $_tile_overlayer_lowered  }
0xa1: {  	s22 =	simm.s32 $0x1BFF;
	s21 =	sshll.u32 s7, $0x1;
	s4 =	sadd.s32 s19, s18  }
0xa2: {  	s8 =	simm.s32 $0x0;
	s20 =	sshll.u32 s6, $0x1;
	s6 =	sadd.s32 s21, s4  }
0xa3: {  	[timem:s8], [sflag:s22] =	dma.local [hbm:s6], s20  }
0xa4: {  	_ =	swait.ge [sflag:s22], s20  }
0xa5: {  	s5 =	ssub.s32 $0x0, s20;
	[sflag:s22] =	ssyncset.done $0x0  }
0xa6: {  	[sflag:s22] =	ssyncadd.s32 s5;
	_ =	sdelay $0x1  }
0xa7: {  	s23 =	simm.s32 $0x1B8B  }
0xa8: {  	_ =	swait.ge [sflag:s23], $0x1  }
0xa9: {  	[sflag:s23] =	ssyncset.done $0x0  }
0xaa: {  	s25 =	simm.s32 $0x1B8E;
	s24 =	sld [smem:$0x3FFE];
	[sflag:s23] =	ssyncadd.s32 $0xFFFFFFFF  }
0xab: {  	s26 =	simm.s32 $execute0_lowered;
	[smem:$0x3FD2] =	sst s25  }
0xac: {  	s6 =	sshll.u32 s26, $0x1;
	_ =	strace $0x80000046;
	[dreg:$0x1] =	wrdreg $0xFFFFFFFF  }
0xad: {  	s28 =	simm.s32 $_size_execute0_lowered;
	s4 =	sadd.s32 s4, s6;
	[dreg:$0x0] =	wrdreg $0x0  }
0xae: {  	s6 =	sshll.u32 s28, $0x1;
	[dreg:$0x2] =	wrdreg s4  }
0xaf: {  	[dreg:$0x3] =	wrdreg s6  }
0xb0: {  	[dreg:$0x4] =	wrdreg $0xC0  }
0xb1: {  	_ =	task [dreg:s8], $0x5FFFF  }
0xb2: {  	[dreg:$0x1] =	wrdreg $0xFFFFFFFF  }
0xb3: {  	[dreg:$0x0] =	wrdreg $0x60  }
0xb4: {  	[dreg:$0x2] =	wrdreg s15  }
0xb5: {  	[dreg:$0x3] =	wrdreg s16  }
0xb6: {  	[dreg:$0x4] =	wrdreg s24  }
0xb7: {  	[dreg:$0x5] =	wrdreg $0xA  }
0xb8: {  	_ =	task.clear_ibuf [dreg:s8], $0x6FFFF;
	_ =	strace $0x90000046  }
0xb9: {  	s29 =	simm.s32 $0xA;
	_ =	strace $0x80000048  }
0xba: {  	_ =	swait.ge [sflag:s29], $0x1  }
0xbb: {  	[sflag:s29] =	ssyncadd.s32 $0xFFFFFFFF  }
0xbc: {  	_ =	strace $0x90000048  }
0xbd: {  	_ =	sfence  }
0xbe: {  	s30 =	sld [smem:$0x0];
	_ =	sdelay $0x2  }
0xbf: {  	s31 =	sshll.u32 s1, $0xD;
	s1 =	sshrl.u32 s1, $0x2  }
0xc0: {  	s3 =	sand.u32 $0x4000, s31;
	s1 =	sadd.s32 s1, s30  }
0xc1: {  	s0 =	sor.u32 s3, s0;
	s1 =	sshll.u32 s1, $0x11  }
0xc2: {  	s0 =	sor.u32 s1, s0  }
0xc3: {  	s0 =	sadd.s32 $0x8F2B, s0  }
0xc4: {  	[sflag:s0] =	ssyncadd.remote.s32 $0x1  }
0xc5: {  	_ =	sfence.sel $0xFFFF  }
0xc6: {  	[dreg:$0x0] =	wrdreg $0xFFFFFFFF;
	(pc) =	sbr.abs _section_cstart, $3  }
0xc7: {  	[dreg:$0x1] =	wrdreg $0xFFFFFFFF  }
0xc8: {  	_ =	task.clear_ibuf [dreg:s8], $0x2FFFF;
	_ =	strace $0x9FFFFFFF  }
0xc9: {  	(tm) =	ssettm $0x7FFFFFFF  }
tec
execute0_lowered:
.L_overlay_start_1:
0x0: {  	(tag) =	ssettag $0x1  }
0x1: {  	s1 =	rddreg [dreg:$0x0]  }
0x2: {  	s2 =	srdreg.scid;
	s4 =	rddreg [dreg:$0x1]  }
0x3: {  	s0 =	stileid.u32;
	s6 =	rddreg [dreg:$0x2]  }
0x4: {  	s3 =	simm.s32 $0x0;
	s12 =	simm.s32 $0x2800;
	s13 =	simm.s32 $0x6800  }
0x5: {  	s14 =	simm.s32 $0x0;
	s5 =	sand.u32 $0x1, s2;
	s2 =	rddreg [dreg:$0x3]  }
0x6: {  	s28 =	sshll.u32 s0, $0x1;
	[smem:$0x7FF] =	sst s3;
	s8 =	smul.u32 $0x28000, s0  }
0x7: {  	s7 =	sor.u32 s5, s28;
	s9 =	ssub.s32 $0x2, s5;
	s11 =	smul.u32 $0x14000, s5  }
0x8: {  	_ =	strace $0x80000047;
	s7 =	smul.u32 $0x280, s7;
	s10 =	sshrl.u32 s9, $0x1  }
0x9: {  	s30 =	ssub.s32 s9, s10;
	s9 =	simm.s32 $0x1;
	s10 =	simm.s32 $0x1400  }
0xa: {  	s29 =	sadd.s32 s7, s6;
	s6 =	sadd.s32 s8, s6;
	s4 =	sadd.s32 s4, s7  }
0xb: {  	s5 =	sadd.s32 $0x6E00, s29;
	s31 =	sadd.s32 s11, s6;
	s6 =	smax.u32 s30, $0x1  }
0xc: {  	s11 =	simm.s32 $0x80;
	s7 =	sadd.s32 $0x28BE00, s31;
	s8 =	sadd.s32 $0xBE00, s31  }
.LBB2_1:
0xd: {  	[tilespmem:s3], [sflag:$0x1] =	stream.linear.gather [hbm4b:s4+s3], $0x1400, $0x38;
	[tilespmem:$0xA800] =	vst v63  }
0xe: {  	_ =	swait.ge [sflag:s9], $0x1400  }
0xf: {  	[sflag:s9] =	ssyncset.done $0x0  }
0x10: {  	[sflag:s9] =	ssyncadd.s32 $0xFFFFEC00  }
0x11: {  	[tilespmem:s10], [sflag:$0x1] =	stream.linear.gather [hbm4b:s5+s3], $0x1400, $0x38;
	[tilespmem:$0xA800] =	vst v63  }
0x12: {  	_ =	swait.ge [sflag:s9], $0x1400  }
0x13: {  	[sflag:s9] =	ssyncset.done $0x0  }
0x14: {  	s15 =	simm.s32 $0x0;
	[sflag:s9] =	ssyncadd.s32 $0xFFFFEC00  }
0x15: {  	[tilespmem:s12], [sflag:$0x1] =	stream.indirect.gather [hbm4b:s1+s11], $0x80, s15, s11, $0xb8;
	[tilespmem:$0xA800] =	vst v63  }
0x16: {  	_ =	swait.ge [sflag:s9], $0x4000  }
0x17: {  	[sflag:s9] =	ssyncset.done $0x0  }
0x18: {  	s31 =	simm.s32 $0x1400;
	[sflag:s9] =	ssyncadd.s32 $0xFFFFC000  }
0x19: {  	[tilespmem:s13], [sflag:$0x1] =	stream.indirect.gather [hbm4b:s1+s11], $0x80, s31, s11, $0xb8;
	[tilespmem:$0xA800] =	vst v63  }
0x1a: {  	_ =	swait.ge [sflag:s9], $0x4000  }
0x1b: {  	[sflag:s9] =	ssyncset.done $0x0  }
0x1c: {  	[sflag:s9] =	ssyncadd.s32 $0xFFFFC000  }
0x1d: {  	[hbm4b:s8+s3] =	stream.linear.scatter [tilespmem:s12], [sflag:$0x1], $0x4000, $0x38;
	[tilespmem:$0xA800] =	vst v63  }
0x1e: {  	_ =	swait.ge [sflag:s9], $0x4000  }
0x1f: {  	[sflag:s9] =	ssyncset.done $0x0  }
0x20: {  	[sflag:s9] =	ssyncadd.s32 $0xFFFFC000  }
0x21: {  	[hbm4b:s7+s3] =	stream.linear.scatter [tilespmem:s13], [sflag:$0x1], $0x4000, $0x38;
	[tilespmem:$0xA800] =	vst v63  }
0x22: {  	s17 =	simm.s32 $0x200;
	s18 =	simm.s32 $0x400;
	_ =	swait.ge [sflag:s9], $0x4000  }
0x23: {  	s16 =	sadd.s32 $0x800, s8;
	s15 =	sadd.s32 $0x800, s7;
	[sflag:s9] =	ssyncset.done $0x0  }
.LBB2_2:
0x24: {  	s19 =	sshra.s32 s17, $0x2  }
0x25: {  	[sflag:s9] =	ssyncadd.s32 $0xFFFFC000;
	s17 =	smov.u32 s18;
	s20 =	sadd.s32 $0x200, s18  }
0x26: {  	[tilespmem:s12], [sflag:$0x1] =	stream.indirect.gather [hbm4b:s1+s11], $0x80, s19, s11, $0xb8;
	[tilespmem:$0xA800] =	vst v63  }
0x27: {  	p0 =	sne.s32 s18, $0x4E00;
	_ =	swait.ge [sflag:s9], $0x4000  }
0x28: {  	[sflag:s9] =	ssyncset.done $0x0  }
0x29: {  	s18 =	sadd.s32 $0x1400, s19;
	[sflag:s9] =	ssyncadd.s32 $0xFFFFC000  }
0x2a: {  	[tilespmem:s13], [sflag:$0x1] =	stream.indirect.gather [hbm4b:s1+s11], $0x80, s18, s11, $0xb8;
	[tilespmem:$0xA800] =	vst v63  }
0x2b: {  	_ =	swait.ge [sflag:s9], $0x4000  }
0x2c: {  	[sflag:s9] =	ssyncset.done $0x0  }
0x2d: {  	[sflag:s9] =	ssyncadd.s32 $0xFFFFC000  }
0x2e: {  	[hbm4b:s16+s3] =	stream.linear.scatter [tilespmem:s12], [sflag:$0x1], $0x4000, $0x38;
	[tilespmem:$0xA800] =	vst v63  }
0x2f: {  	_ =	swait.ge [sflag:s9], $0x4000  }
.Ltmp0:
0x30: {  	[sflag:s9] =	ssyncset.done $0x0;
	(pc) =	sbr.rel @p0 .LBB2_2-.Ltmp0, $4  }
0x31: {  	[sflag:s9] =	ssyncadd.s32 $0xFFFFC000  }
0x32: {  	[hbm4b:s15+s3] =	stream.linear.scatter [tilespmem:s13], [sflag:$0x1], $0x4000, $0x38;
	[tilespmem:$0xA800] =	vst v63  }
0x33: {  	s18 =	smov.u32 s20;
	_ =	swait.ge [sflag:s9], $0x4000  }
0x34: {  	s16 =	sadd.s32 $0x800, s16;
	s15 =	sadd.s32 $0x800, s15;
	[sflag:s9] =	ssyncset.done $0x0  }
0x35: {  	s17 =	sshra.s32 s17, $0x2;
	[sflag:s9] =	ssyncadd.s32 $0xFFFFC000  }
0x36: {  	[tilespmem:s12], [sflag:$0x1] =	stream.indirect.gather [hbm4b:s1+s11], $0x80, s17, s11, $0xb8;
	[tilespmem:$0xA800] =	vst v63  }
0x37: {  	_ =	swait.ge [sflag:s9], $0x4000  }
0x38: {  	[sflag:s9] =	ssyncset.done $0x0  }
0x39: {  	s17 =	sadd.s32 $0x1400, s17;
	[sflag:s9] =	ssyncadd.s32 $0xFFFFC000  }
0x3a: {  	[tilespmem:s13], [sflag:$0x1] =	stream.indirect.gather [hbm4b:s1+s11], $0x80, s17, s11, $0xb8;
	[tilespmem:$0xA800] =	vst v63  }
0x3b: {  	_ =	swait.ge [sflag:s9], $0x4000  }
0x3c: {  	[sflag:s9] =	ssyncset.done $0x0  }
0x3d: {  	[sflag:s9] =	ssyncadd.s32 $0xFFFFC000  }
0x3e: {  	[hbm4b:s16+s3] =	stream.linear.scatter [tilespmem:s12], [sflag:$0x1], $0x4000, $0x38;
	[tilespmem:$0xA800] =	vst v63  }
0x3f: {  	s14 =	sadd.s32 $0x1, s14;
	_ =	swait.ge [sflag:s9], $0x4000  }
0x40: {  	p0 =	sne.s32 s14, s6;
	[sflag:s9] =	ssyncset.done $0x0  }
.Ltmp1:
0x41: {  	[sflag:s9] =	ssyncadd.s32 $0xFFFFC000;
	(pc) =	sbr.rel @p0 .LBB2_1-.Ltmp1, $4  }
0x42: {  	[hbm4b:s15+s3] =	stream.linear.scatter [tilespmem:s13], [sflag:$0x1], $0x4000, $0x38;
	[tilespmem:$0xA800] =	vst v63  }
0x43: {  	_ =	swait.ge [sflag:s9], $0x4000  }
0x44: {  	[sflag:s9] =	ssyncset.done $0x0  }
0x45: {  	[sflag:s9] =	ssyncadd.s32 $0xFFFFC000  }
0x46: {  	_ =	sfence.sel $0x180000  }
0x47: {  	[bflag:$0x0] =	sbarrier.arrive $0xFFFF  }
0x48: {  	p0 =	sne.s32 s0, $0x0;
	_ =	strace $0x90000047  }
0x49: {  	s0 =	sadd.s32 @!p0 $0x100000, s2;
	[bflag:$0x2] =	sbarrier.arrive $0xFFFF  }
0x4a: {  	[sflag:s0] =	ssyncadd.tile.s32 @!p0 $0x1;
	_ =	shalt  }
.Lfunc_end2:
_tile_overlayer_lowered:
.L_overlay_start_2:
0x4b: {  	(tag) =	ssettag $0x2  }
0x4c: {  	s0 =	rddreg [dreg:$0x0];
	s2 =	stileid.u32  }
0x4d: {  	s1 =	rddreg [dreg:$0x1];
	p0 =	sne.s32 s2, $0x0  }
0x4e: {  	s3 =	rddreg [dreg:$0x2];
	[bflag:$0x3] =	sbarrier.arrive $0xFFFF;
	s2 =	simm.s32 @!p0 $0x1C01  }
0x4f: {  	[timem:s3], [sflag:s2] =	dma.local @!p0 [hbm:s0], s1  }
0x50: {  	s0 =	simm.s32 @!p0 $0x1  }
0x51: {  	_ =	swait.ge @!p0 [sflag:s0], s1  }
0x52: {  	s1 =	ssub.s32 @!p0 $0x0, s1;
	[sflag:s0] =	ssyncset.done @!p0 $0x0  }
0x53: {  	[sflag:s0] =	ssyncadd.s32 @!p0 s1  }
0x54: {  	[bflag:$0x3] =	sbarrier.arrive $0xFFFF  }
0x55: {  	_ =	shalt  }

// kernel: kernel.15.cloned.1.call-start
scs
__scs_entry_jumppad:
0x0: {  	(pc) =	sbr.rel $0x88, $3  }
0x1: {  	(tag) =	ssettag $0x0;
	lr =	simm.s32 $0x1  }
0x2: {  	[smem:$0x3F8E] =	sst lr;
	_ =	strace $0xD0000000  }
0x3: {  	_ = 	snop  }
0x4: {  	_ = 	snop  }
0x5: {  	_ = 	snop  }
0x6: {  	_ = 	snop  }
0x7: {  	_ = 	snop  }
__scs_overlays_trampoline_lowered:
0x8: {  	[smem:$0x3F9D] =	sst s0  }
0x9: {  	[smem:$0x3F9E] =	sst s1  }
0xa: {  	[smem:$0x3F9F] =	sst s2  }
0xb: {  	[smem:$0x3FA0] =	sst s3  }
0xc: {  	[smem:$0x3FA1] =	sst s4  }
0xd: {  	[smem:$0x3FA2] =	sst s5  }
0xe: {  	[smem:$0x3FA3] =	sst s6  }
0xf: {  	[smem:$0x3FA4] =	sst s7  }
0x10: {  	[smem:$0x3FA5] =	sst s8  }
0x11: {  	[smem:$0x3FA6] =	sst s9;
	s0 =	simm.s32 @!p0 $0x0  }
0x12: {  	s1 =	sld [smem:$0x3F8C];
	s0 =	simm.s32 @p0 $0x1  }
0x13: {  	[smem:$0x3FA7] =	sst s0;
	s0 =	simm.s32 @!p1 $0x0  }
0x14: {  	s2 =	sld [smem:$0x3F8B];
	s0 =	simm.s32 @p1 $0x1  }
0x15: {  	[smem:$0x3FA8] =	sst s0;
	s0 =	simm.s32 @!p2 $0x0  }
0x16: {  	s3 =	sld [smem:$0x3FDB];
	s0 =	simm.s32 @p2 $0x1  }
0x17: {  	s4 =	simm.s32 $0x1BF5;
	[smem:$0x3FAA] =	sst s0  }
0x18: {  	s0 =	sld [smem:$0x3F8D];
	_ =	swait.ge [sflag:s4], $0x0  }
0x19: {  	s7 =	sld [smem:$0x3F8E]  }
0x1a: {  	s8 =	sadd.s32 $0xFFFFE003, lr  }
0x1b: {  	s9 =	sadd.s32 $0xFFFFFEF7, lr;
	s5 =	simm.s32 $0xFFFFFFFF;
	p2 =	slt.u32 s8, $0xFFFFF086  }
0x1c: {  	p1 =	slt.u32 s9, $0xF7A;
	s5 =	simm.s32 @!p2 $0x0  }
0x1d: {  	s5 =	simm.s32 @p1 $0x1;
	p0 =	seq.s32 s7, s2  }
0x1e: {  	s7 =	smul.u32 @!p0 $0xF7A, s2;
	p2 =	seq.s32 @!p0 s5, $0x0  }
0x1f: {  	s9 =	smul.u32 $0xF7A, s1;
	s8 =	simm.s32 @!p0 $0x1BF5;
	p2 =	por !p2, p0  }
0x20: {  	[sflag:s8] =	ssyncset.s32 @!p0 $0xFFFFF086;
	s6 =	sadd.s32 @!p0 s3, s7;
	s7 =	simm.s32 @!p0 $0x108  }
0x21: {  	s3 =	sadd.s32 s3, s9;
	s6 =	sadd.s32 @!p0 $0x88, s6;
	s7 =	simm.s32 @p2 $0x1082  }
0x22: {  	[simem:s7], [sflag:s8] =	dma.local @!p0 [hbm:s6], $0xF7A  }
0x23: {  	s9 =	sor.u32 $0xD0000000, s2;
	s6 =	simm.s32 $0x108;
	_ =	swait.ge @!p0 [sflag:s8], $0x0  }
0x24: {  	s3 =	sadd.s32 $0x88, s3;
	s6 =	simm.s32 @!p1 $0x1082;
	[sflag:s4] =	ssyncset.s32 $0xFFFFF086  }
0x25: {  	[simem:s6], [sflag:s4] =	dma.local [hbm:s3], $0xF7A  }
0x26: {  	[smem:$0x3F8E] =	sst s1;
	(tag) =	ssettag s2;
	_ =	strace s9  }
0x27: {  	s1 =	sld [smem:$0x3F9E]  }
0x28: {  	s2 =	sld [smem:$0x3F9F]  }
0x29: {  	s4 =	sld [smem:$0x3FA1]  }
0x2a: {  	p0 =	seq.s32 s5, $0x0;
	s5 =	sld [smem:$0x3FA2]  }
0x2b: {  	s6 =	sld [smem:$0x3FA3]  }
0x2c: {  	s7 =	sld [smem:$0x3FA4]  }
0x2d: {  	s3 =	simm.s32 $0x108;
	s8 =	sld [smem:$0x3FA5]  }
0x2e: {  	s3 =	simm.s32 @!p0 $0x1082;
	s9 =	sld [smem:$0x3FA6]  }
0x2f: {  	lr =	sadd.s32 s0, s3;
	s0 =	sld [smem:$0x3F9D]  }
0x30: {  	s3 =	sld [smem:$0x3FA0]  }
0x31: {  	[smem:$0x3FA9] =	sst s10  }
0x32: {  	s10 =	sld [smem:$0x3FA7];
	_ =	sdelay $0x3  }
0x33: {  	p0 =	seq.s32 s10, $0x1;
	s10 =	sld [smem:$0x3FA9];
	_ =	sdelay $0x3  }
0x34: {  	[smem:$0x3FA9] =	sst s10  }
0x35: {  	s10 =	sld [smem:$0x3FA8];
	_ =	sdelay $0x3  }
0x36: {  	p1 =	seq.s32 s10, $0x1;
	s10 =	sld [smem:$0x3FA9];
	_ =	sdelay $0x3  }
0x37: {  	[smem:$0x3FA9] =	sst s10  }
0x38: {  	s10 =	sld [smem:$0x3FAA]  }
0x39: {  	_ = 	snop;
	(pc) =	sbr.ind lr, $3  }
0x3a: {  	_ = 	snop  }
0x3b: {  	_ = 	snop  }
0x3c: {  	p2 =	seq.s32 s10, $0x1;
	s10 =	sld [smem:$0x3FA9]  }
0x3d: {  	_ =	shalt  }
0x3e: {  	_ =	shalt  }
0x3f: {  	_ =	shalt  }
0x40: {  	_ =	shalt  }
0x41: {  	_ =	shalt  }
0x42: {  	_ =	shalt  }
0x43: {  	_ =	shalt  }
0x44: {  	_ =	shalt  }
0x45: {  	_ =	shalt  }
0x46: {  	_ =	shalt  }
0x47: {  	_ =	shalt  }
0x48: {  	_ =	shalt  }
0x49: {  	_ =	shalt  }
0x4a: {  	_ =	shalt  }
0x4b: {  	_ =	shalt  }
0x4c: {  	_ =	shalt  }
0x4d: {  	_ =	shalt  }
0x4e: {  	_ =	shalt  }
0x4f: {  	_ =	shalt  }
0x50: {  	_ =	shalt  }
0x51: {  	_ =	shalt  }
0x52: {  	_ =	shalt  }
0x53: {  	_ =	shalt  }
0x54: {  	_ =	shalt  }
0x55: {  	_ =	shalt  }
0x56: {  	_ =	shalt  }
0x57: {  	_ =	shalt  }
0x58: {  	_ =	shalt  }
0x59: {  	_ =	shalt  }
0x5a: {  	_ =	shalt  }
0x5b: {  	_ =	shalt  }
0x5c: {  	_ =	shalt  }
0x5d: {  	_ =	shalt  }
0x5e: {  	_ =	shalt  }
0x5f: {  	_ =	shalt  }
0x60: {  	_ =	shalt  }
0x61: {  	_ =	shalt  }
0x62: {  	_ =	shalt  }
0x63: {  	_ =	shalt  }
0x64: {  	_ =	shalt  }
0x65: {  	_ =	shalt  }
0x66: {  	_ =	shalt  }
0x67: {  	_ =	shalt  }
0x68: {  	_ =	shalt  }
0x69: {  	_ =	shalt  }
0x6a: {  	_ =	shalt  }
0x6b: {  	_ =	shalt  }
0x6c: {  	_ =	shalt  }
0x6d: {  	_ =	shalt  }
0x6e: {  	_ =	shalt  }
0x6f: {  	_ =	shalt  }
0x70: {  	_ =	shalt  }
0x71: {  	_ =	shalt  }
0x72: {  	_ =	shalt  }
0x73: {  	_ =	shalt  }
0x74: {  	_ =	shalt  }
0x75: {  	_ =	shalt  }
0x76: {  	_ =	shalt  }
0x77: {  	_ =	shalt  }
0x78: {  	_ =	shalt  }
0x79: {  	_ =	shalt  }
0x7a: {  	_ =	shalt  }
0x7b: {  	_ =	shalt  }
0x7c: {  	_ =	shalt  }
0x7d: {  	_ =	shalt  }
0x7e: {  	_ =	shalt  }
0x7f: {  	_ =	shalt  }
0x80: {  	_ =	shalt  }
0x81: {  	_ =	shalt  }
0x82: {  	_ =	shalt  }
0x83: {  	_ =	shalt  }
0x84: {  	_ =	shalt  }
0x85: {  	_ =	shalt  }
0x86: {  	_ =	shalt  }
0x87: {  	_ =	shalt  }
.Lfunc_end0:
.L_simem_size_0:
called_computation.2_lowered:
.L_overlay_start_0:
0x88: {  	s2 =	sld [smem:$0x3FD9]  }
0x89: {  	s3 =	sld [smem:$0x3FFE];
	_ =	sdelay $0x1  }
0x8a: {  	s1 =	srdreg.scid  }
0x8b: {  	s0 =	sand.u32 $0x1, s1  }
0x8c: {  	s17 =	sshll.u32 s0, $0xA;
	s2 =	sadd.s32 s3, s2  }
0x8d: {  	s2 =	sadd.s32 s2, s17  }
0x8e: {  	[smem:$0x3FB5] =	sst s2  }
0x8f: {  	_ = 	snop  }
0x90: {  	(tm) =	ssettm $0x1  }
0x91: {  	s18 =	sld [smem:$0x3FFB];
	_ =	sdelay $0x3  }
0x92: {  	_ =	strace s18  }
0x93: {  	s2 =	sld [smem:$0x3FFC];
	_ =	sdelay $0x3  }
0x94: {  	_ =	strace s2  }
0x95: {  	s2 =	sld [smem:$0x3FFD];
	_ =	sdelay $0x3  }
0x96: {  	_ =	strace s2  }
0x97: {  	_ =	strace $0x8FFFFFFF  }
0x98: {  	s19 =	sld [smem:$0x3FDB];
	_ =	sdelay $0x1  }
0x99: {  	s20 =	simm.s32 $_scs_section_size  }
0x9a: {  	s4 =	simm.s32 $_size__tile_overlayer_lowered;
	s5 =	simm.s32 $_tile_overlayer_lowered  }
0x9b: {  	s6 =	simm.s32 $0x1BFF;
	s21 =	sshll.u32 s5, $0x1;
	s3 =	sadd.s32 s20, s19  }
0x9c: {  	s22 =	simm.s32 $0x0;
	s4 =	sshll.u32 s4, $0x1;
	s5 =	sadd.s32 s21, s3  }
0x9d: {  	[timem:s22], [sflag:s6] =	dma.local [hbm:s5], s4  }
0x9e: {  	_ =	swait.ge [sflag:s6], s4  }
0x9f: {  	s4 =	ssub.s32 $0x0, s4;
	[sflag:s6] =	ssyncset.done $0x0  }
0xa0: {  	[sflag:s6] =	ssyncadd.s32 s4;
	_ =	sdelay $0x1  }
0xa1: {  	s23 =	simm.s32 $0x1B8B  }
0xa2: {  	_ =	swait.ge [sflag:s23], $0x1  }
0xa3: {  	[sflag:s23] =	ssyncset.done $0x0  }
0xa4: {  	[sflag:s23] =	ssyncadd.s32 $0xFFFFFFFF  }
0xa5: {  	s4 =	sld [smem:$0x0]  }
0xa6: {  	s5 =	sand.u32 $0xFFFFFFFE, s1  }
0xa7: {  	p0 =	sne.s32 s1, s5  }
0xa8: {  	s5 =	sshll.u32 @p0 s5, $0xE  }
0xa9: {  	s5 =	sadd.s32 @p0 $0x11B8D, s5;
	s6 =	sshll.u32 @p0 s4, $0x11  }
0xaa: {  	s5 =	sor.u32 @p0 s6, s5  }
0xab: {  	[sflag:s5] =	ssyncadd.remote.s32 @p0 $0x1;
	_ =	sdelay $0x1  }
0xac: {  	s5 =	simm.s32 @p0 $0x1B8D  }
0xad: {  	_ =	swait.eq @p0 [sflag:s5], $0x1  }
0xae: {  	[sflag:s5] =	ssyncadd.s32 @p0 $0xFFFFFFFF  }
0xaf: {  	s6 =	sshll.u32 @!p0 s1, $0xE  }
0xb0: {  	s6 =	sor.u32 @!p0 $0x4000, s6;
	s5 =	simm.s32 @!p0 $0x1B8D  }
0xb1: {  	s4 =	sshll.u32 @!p0 s4, $0x11;
	s6 =	sadd.s32 @!p0 $0x11B8D, s6;
	_ =	swait.eq @!p0 [sflag:s5], $0x1  }
0xb2: {  	s4 =	sor.u32 @!p0 s4, s6;
	[sflag:s5] =	ssyncadd.s32 @!p0 $0xFFFFFFFF  }
0xb3: {  	s25 =	simm.s32 $0x1B8E;
	s24 =	sld [smem:$0x3FFE];
	[sflag:s4] =	ssyncadd.remote.s32 @!p0 $0x1  }
0xb4: {  	s26 =	simm.s32 $execute0_lowered;
	[smem:$0x3FD2] =	sst s25  }
0xb5: {  	s5 =	sshll.u32 s26, $0x1;
	_ =	strace $0x8000004F;
	[dreg:$0x1] =	wrdreg $0xFFFFFFFF  }
0xb6: {  	s28 =	simm.s32 $_size_execute0_lowered;
	s3 =	sadd.s32 s3, s5;
	[dreg:$0x0] =	wrdreg $0x0  }
0xb7: {  	s5 =	sshll.u32 s28, $0x1;
	[dreg:$0x2] =	wrdreg s3  }
0xb8: {  	[dreg:$0x3] =	wrdreg s5  }
0xb9: {  	[dreg:$0x4] =	wrdreg $0xC0  }
0xba: {  	_ =	task [dreg:s22], $0x5FFFF  }
0xbb: {  	[dreg:$0x1] =	wrdreg $0xFFFFFFFF  }
0xbc: {  	[dreg:$0x0] =	wrdreg $0x60  }
0xbd: {  	[dreg:$0x2] =	wrdreg s24  }
0xbe: {  	[dreg:$0x3] =	wrdreg $0x68000  }
0xbf: {  	[dreg:$0x4] =	wrdreg $0x9  }
0xc0: {  	_ =	task.clear_ibuf [dreg:s22], $0x5FFFF;
	_ =	strace $0x9000004F  }
0xc1: {  	s29 =	simm.s32 $0x9;
	_ =	strace $0x80000051  }
0xc2: {  	_ =	swait.ge [sflag:s29], $0x1  }
0xc3: {  	[sflag:s29] =	ssyncadd.s32 $0xFFFFFFFF  }
0xc4: {  	_ =	strace $0x90000051  }
0xc5: {  	_ =	sfence  }
0xc6: {  	s30 =	sld [smem:$0x0];
	_ =	sdelay $0x2  }
0xc7: {  	s31 =	sshll.u32 s1, $0xD;
	s1 =	sshrl.u32 s1, $0x2  }
0xc8: {  	s4 =	sand.u32 $0x4000, s31;
	s1 =	sadd.s32 s1, s30  }
0xc9: {  	s0 =	sor.u32 s4, s0;
	s1 =	sshll.u32 s1, $0x11  }
0xca: {  	s0 =	sor.u32 s1, s0  }
0xcb: {  	s0 =	sadd.s32 $0x8F2B, s0  }
0xcc: {  	[sflag:s0] =	ssyncadd.remote.s32 $0x1  }
0xcd: {  	_ =	sfence.sel $0xFFFF  }
0xce: {  	[dreg:$0x0] =	wrdreg $0xFFFFFFFF;
	(pc) =	sbr.abs _section_cstart, $3  }
0xcf: {  	[dreg:$0x1] =	wrdreg $0xFFFFFFFF  }
0xd0: {  	_ =	task.clear_ibuf [dreg:s22], $0x2FFFF;
	_ =	strace $0x9FFFFFFF  }
0xd1: {  	(tm) =	ssettm $0x7FFFFFFF  }
tec
execute0_lowered:
.L_overlay_start_1:
0x0: {  	(tag) =	ssettag $0x1  }
0x1: {  	s6 =	rddreg [dreg:$0x0]  }
0x2: {  	s2 =	rddreg [dreg:$0x1]  }
0x3: {  	s0 =	rddreg [dreg:$0x2];
	s1 =	stileid.u32  }
0x4: {  	s3 =	simm.s32 $0x0;
	s8 =	srdreg.scid;
	s5 =	smul.u32 $0x500, s1  }
0x5: {  	s15 =	simm.s32 $0x2800;
	s16 =	simm.s32 $0x80;
	s7 =	smul.u32 $0x28000, s1  }
0x6: {  	s17 =	simm.s32 $0x0;
	[smem:$0x7FF] =	sst s3;
	s4 =	smul.u32 $0x2780, s1  }
0x7: {  	s13 =	sand.u32 $0x1, s8;
	s11 =	smul.u32 $0x4F000, s1;
	s31 =	sshll.u32 s1, $0x6  }
0x8: {  	_ =	strace $0x80000050;
	s29 =	ssub.s32 $0x2, s13;
	s8 =	sor.u32 $0x1C01, s31  }
0x9: {  	p0 =	sne.s32 s13, $0x0;
	s9 =	sadd.s32 s5, s6;
	s12 =	sadd.s32 s7, s6  }
.Ltmp0:
0xa: {  	s30 =	sadd.s32 s4, s6;
	s10 =	sshrl.u32 s29, $0x1;
	(pc) =	sbr.rel .LBB2_1-.Ltmp0, $4  }
0xb: {  	s5 =	sadd.s32 $0xF8DA00, s6;
	s6 =	sadd.s32 $0xFB5200, s6;
	s11 =	sshrl.u32 s11, $0x2  }
0xc: {  	s10 =	ssub.s32 s29, s10;
	s7 =	sadd.s32 $0xC97200, s30;
	s14 =	sadd.s32 s11, s2  }
0xd: {  	s9 =	sadd.s32 $0x50BE00, s9;
	s11 =	sadd.s32 $0x286E00, s12;
	s12 =	sadd.s32 $0x6E00, s12  }
0xe: {  	s10 =	smax.u32 s10, $0x1;
	s13 =	sshrl.u32 s14, $0x3;
	s14 =	simm.s32 $0x1  }
.LBB2_7:
0xf: {  	[sflag:s14] =	ssyncadd.s32 $0xFFFFC000;
	s18 =	smov.u32 s6  }
.LBB2_8:
0x10: {  	s17 =	sadd.s32 $0x1, s17  }
0x11: {  	p1 =	sne.s32 s17, s10  }
.Ltmp1:
0x12: {  	s18 =	sadd.s32 s18, s4;
	[bflag:$0x0] =	sbarrier.arrive $0xFFFF;
	(pc) =	sbr.rel @!p1 .LBB2_9-.Ltmp1, $4  }
0x13: {  	[hbm:s18], [sflag:s8] =	dma.local [spmem:s13], $0x2780  }
0x14: {  	_ =	swait.ge [sflag:s14], $0x2780  }
0x15: {  	[sflag:s14] =	ssyncset.done $0x0  }
0x16: {  	[sflag:s14] =	ssyncadd.s32 $0xFFFFD880  }
.LBB2_1:
0x17: {  	[spmem:s13], [sflag:s8] =	dma.local [hbm:s7], $0x2780  }
0x18: {  	_ =	swait.ge [sflag:s14], $0x2780  }
0x19: {  	[sflag:s14] =	ssyncset.done $0x0  }
0x1a: {  	[sflag:s14] =	ssyncadd.s32 $0xFFFFD880  }
0x1b: {  	[tilespmem:s3], [sflag:$0x1] =	stream.linear.gather [hbm4b:s9+s3], $0x2800, $0x38;
	[tilespmem:$0x1A400] =	vst v63  }
.Ltmp2:
0x1c: {  	_ =	swait.ge [sflag:s14], $0x2800;
	(pc) =	sbr.rel @p0 .LBB2_5-.Ltmp2, $3  }
0x1d: {  	[sflag:s14] =	ssyncset.done $0x0  }
0x1e: {  	[sflag:s14] =	ssyncadd.s32 $0xFFFFD800  }
0x1f: {  	[bflag:$0x0] =	sbarrier.arrive $0xFFFF;
	_ =	sdelay $0x1  }
0x20: {  	[tilespmem:s15], [sflag:$0x1] =	stream.linear.gather [hbm4b:s12+s3], $0x4000, $0x38;
	[tilespmem:$0x1A400] =	vst v63  }
0x21: {  	_ =	swait.ge [sflag:s14], $0x4000  }
0x22: {  	[sflag:s14] =	ssyncset.done $0x0  }
0x23: {  	s18 =	simm.s32 $0x0;
	[sflag:s14] =	ssyncadd.s32 $0xFFFFC000  }
0x24: {  	[spmem:s2] =	stream.indirect.scatter.add.f32 [tilespmem:s15], [sflag:$0x1], $0x80, s18, s16, $0xb8;
	[tilespmem:$0x1A400] =	vst v63  }
0x25: {  	_ =	swait.ge [sflag:s14], $0x4000  }
0x26: {  	s19 =	smov.u32 s12;
	s18 =	simm.s32 $0x200;
	[sflag:s14] =	ssyncset.done $0x0  }
.LBB2_3:
0x27: {  	p1 =	seq.s32 s18, $0x9E00;
	[sflag:s14] =	ssyncadd.s32 $0xFFFFC000;
	s19 =	sadd.s32 $0x800, s19  }
0x28: {  	[tilespmem:s15], [sflag:$0x1] =	stream.linear.gather [hbm4b:s19+s3], $0x4000, $0x38;
	[tilespmem:$0x1A400] =	vst v63  }
0x29: {  	s20 =	smov.u32 s18;
	s18 =	sadd.s32 $0x200, s18;
	_ =	swait.ge [sflag:s14], $0x4000  }
.Ltmp3:
0x2a: {  	[sflag:s14] =	ssyncset.done $0x0;
	(pc) =	sbr.rel @!p1 .LBB2_3-.Ltmp3, $4  }
0x2b: {  	s20 =	sshra.s32 s20, $0x2;
	[sflag:s14] =	ssyncadd.s32 $0xFFFFC000  }
0x2c: {  	[spmem:s2] =	stream.indirect.scatter.add.f32 [tilespmem:s15], [sflag:$0x1], $0x80, s20, s16, $0xb8;
	[tilespmem:$0x1A400] =	vst v63  }
0x2d: {  	_ =	swait.ge [sflag:s14], $0x4000  }
0x2e: {  	[sflag:s14] =	ssyncset.done $0x0  }
.Ltmp4:
0x2f: {  	(pc) =	sbr.rel .LBB2_8-.Ltmp4, $2  }
0x30: {  	_ =	sdelay $0x2  }
0x31: {  	[sflag:s14] =	ssyncadd.s32 $0xFFFFC000;
	s18 =	smov.u32 s5  }
.LBB2_5:
0x32: {  	[tilespmem:s15], [sflag:$0x1] =	stream.linear.gather [hbm4b:s11+s3], $0x4000, $0x38;
	[tilespmem:$0x1A400] =	vst v63  }
0x33: {  	_ =	swait.ge [sflag:s14], $0x4000  }
0x34: {  	[sflag:s14] =	ssyncset.done $0x0  }
0x35: {  	s18 =	simm.s32 $0x0;
	[sflag:s14] =	ssyncadd.s32 $0xFFFFC000  }
0x36: {  	[spmem:s2] =	stream.indirect.scatter.add.f32 [tilespmem:s15], [sflag:$0x1], $0x80, s18, s16, $0xb8;
	[tilespmem:$0x1A400] =	vst v63  }
0x37: {  	_ =	swait.ge [sflag:s14], $0x4000  }
0x38: {  	s19 =	smov.u32 s11;
	s18 =	simm.s32 $0x200;
	[sflag:s14] =	ssyncset.done $0x0  }
.LBB2_6:
0x39: {  	p1 =	sne.s32 s18, $0x9E00;
	[sflag:s14] =	ssyncadd.s32 $0xFFFFC000;
	s19 =	sadd.s32 $0x800, s19  }
0x3a: {  	[tilespmem:s15], [sflag:$0x1] =	stream.linear.gather [hbm4b:s19+s3], $0x4000, $0x38;
	[tilespmem:$0x1A400] =	vst v63  }
0x3b: {  	s20 =	smov.u32 s18;
	s18 =	sadd.s32 $0x200, s18;
	_ =	swait.ge [sflag:s14], $0x4000  }
.Ltmp5:
0x3c: {  	[sflag:s14] =	ssyncset.done $0x0;
	(pc) =	sbr.rel @p1 .LBB2_6-.Ltmp5, $4  }
0x3d: {  	s20 =	sshra.s32 s20, $0x2;
	[sflag:s14] =	ssyncadd.s32 $0xFFFFC000  }
0x3e: {  	[spmem:s2] =	stream.indirect.scatter.add.f32 [tilespmem:s15], [sflag:$0x1], $0x80, s20, s16, $0xb8;
	[tilespmem:$0x1A400] =	vst v63  }
0x3f: {  	_ =	swait.ge [sflag:s14], $0x4000  }
0x40: {  	[sflag:s14] =	ssyncset.done $0x0  }
.Ltmp6:
0x41: {  	_ = 	snop;
	(pc) =	sbr.rel .LBB2_7-.Ltmp6, $1  }
0x42: {  	_ =	sdelay $0x3  }
.LBB2_9:
0x43: {  	_ =	sfence.sel $0x180000  }
0x44: {  	[bflag:$0x0] =	sbarrier.arrive $0xFFFF  }
0x45: {  	p0 =	sne.s32 s1, $0x0;
	_ =	strace $0x90000050  }
0x46: {  	s0 =	sadd.s32 @!p0 $0x100000, s0;
	[bflag:$0x2] =	sbarrier.arrive $0xFFFF  }
0x47: {  	[sflag:s0] =	ssyncadd.tile.s32 @!p0 $0x1;
	_ =	shalt  }
.Lfunc_end2:
_tile_overlayer_lowered:
.L_overlay_start_2:
0x48: {  	(tag) =	ssettag $0x2  }
0x49: {  	s0 =	rddreg [dreg:$0x0];
	s2 =	stileid.u32  }
0x4a: {  	s1 =	rddreg [dreg:$0x1];
	p0 =	sne.s32 s2, $0x0  }
0x4b: {  	s3 =	rddreg [dreg:$0x2];
	[bflag:$0x3] =	sbarrier.arrive $0xFFFF;
	s2 =	simm.s32 @!p0 $0x1C01  }
0x4c: {  	[timem:s3], [sflag:s2] =	dma.local @!p0 [hbm:s0], s1  }
0x4d: {  	s0 =	simm.s32 @!p0 $0x1  }
0x4e: {  	_ =	swait.ge @!p0 [sflag:s0], s1  }
0x4f: {  	s1 =	ssub.s32 @!p0 $0x0, s1;
	[sflag:s0] =	ssyncset.done @!p0 $0x0  }
0x50: {  	[sflag:s0] =	ssyncadd.s32 @!p0 s1  }
0x51: {  	[bflag:$0x3] =	sbarrier.arrive $0xFFFF  }
0x52: {  	_ =	shalt  }

// kernel: kernel.18.cloned.1.call-start
scs
__scs_entry_jumppad:
0x0: {  	(pc) =	sbr.rel $0x88, $3  }
0x1: {  	(tag) =	ssettag $0x0;
	lr =	simm.s32 $0x1  }
0x2: {  	[smem:$0x3F8E] =	sst lr;
	_ =	strace $0xD0000000  }
0x3: {  	_ = 	snop  }
0x4: {  	_ = 	snop  }
0x5: {  	_ = 	snop  }
0x6: {  	_ = 	snop  }
0x7: {  	_ = 	snop  }
__scs_overlays_trampoline_lowered:
0x8: {  	[smem:$0x3F9D] =	sst s0  }
0x9: {  	[smem:$0x3F9E] =	sst s1  }
0xa: {  	[smem:$0x3F9F] =	sst s2  }
0xb: {  	[smem:$0x3FA0] =	sst s3  }
0xc: {  	[smem:$0x3FA1] =	sst s4  }
0xd: {  	[smem:$0x3FA2] =	sst s5  }
0xe: {  	[smem:$0x3FA3] =	sst s6  }
0xf: {  	[smem:$0x3FA4] =	sst s7  }
0x10: {  	[smem:$0x3FA5] =	sst s8  }
0x11: {  	[smem:$0x3FA6] =	sst s9;
	s0 =	simm.s32 @!p0 $0x0  }
0x12: {  	s1 =	sld [smem:$0x3F8C];
	s0 =	simm.s32 @p0 $0x1  }
0x13: {  	[smem:$0x3FA7] =	sst s0;
	s0 =	simm.s32 @!p1 $0x0  }
0x14: {  	s2 =	sld [smem:$0x3F8B];
	s0 =	simm.s32 @p1 $0x1  }
0x15: {  	[smem:$0x3FA8] =	sst s0;
	s0 =	simm.s32 @!p2 $0x0  }
0x16: {  	s3 =	sld [smem:$0x3FDB];
	s0 =	simm.s32 @p2 $0x1  }
0x17: {  	s4 =	simm.s32 $0x1BF5;
	[smem:$0x3FAA] =	sst s0  }
0x18: {  	s0 =	sld [smem:$0x3F8D];
	_ =	swait.ge [sflag:s4], $0x0  }
0x19: {  	s7 =	sld [smem:$0x3F8E]  }
0x1a: {  	s8 =	sadd.s32 $0xFFFFE003, lr  }
0x1b: {  	s9 =	sadd.s32 $0xFFFFFEF7, lr;
	s5 =	simm.s32 $0xFFFFFFFF;
	p2 =	slt.u32 s8, $0xFFFFF086  }
0x1c: {  	p1 =	slt.u32 s9, $0xF7A;
	s5 =	simm.s32 @!p2 $0x0  }
0x1d: {  	s5 =	simm.s32 @p1 $0x1;
	p0 =	seq.s32 s7, s2  }
0x1e: {  	s7 =	smul.u32 @!p0 $0xF7A, s2;
	p2 =	seq.s32 @!p0 s5, $0x0  }
0x1f: {  	s9 =	smul.u32 $0xF7A, s1;
	s8 =	simm.s32 @!p0 $0x1BF5;
	p2 =	por !p2, p0  }
0x20: {  	[sflag:s8] =	ssyncset.s32 @!p0 $0xFFFFF086;
	s6 =	sadd.s32 @!p0 s3, s7;
	s7 =	simm.s32 @!p0 $0x108  }
0x21: {  	s3 =	sadd.s32 s3, s9;
	s6 =	sadd.s32 @!p0 $0x88, s6;
	s7 =	simm.s32 @p2 $0x1082  }
0x22: {  	[simem:s7], [sflag:s8] =	dma.local @!p0 [hbm:s6], $0xF7A  }
0x23: {  	s9 =	sor.u32 $0xD0000000, s2;
	s6 =	simm.s32 $0x108;
	_ =	swait.ge @!p0 [sflag:s8], $0x0  }
0x24: {  	s3 =	sadd.s32 $0x88, s3;
	s6 =	simm.s32 @!p1 $0x1082;
	[sflag:s4] =	ssyncset.s32 $0xFFFFF086  }
0x25: {  	[simem:s6], [sflag:s4] =	dma.local [hbm:s3], $0xF7A  }
0x26: {  	[smem:$0x3F8E] =	sst s1;
	(tag) =	ssettag s2;
	_ =	strace s9  }
0x27: {  	s1 =	sld [smem:$0x3F9E]  }
0x28: {  	s2 =	sld [smem:$0x3F9F]  }
0x29: {  	s4 =	sld [smem:$0x3FA1]  }
0x2a: {  	p0 =	seq.s32 s5, $0x0;
	s5 =	sld [smem:$0x3FA2]  }
0x2b: {  	s6 =	sld [smem:$0x3FA3]  }
0x2c: {  	s7 =	sld [smem:$0x3FA4]  }
0x2d: {  	s3 =	simm.s32 $0x108;
	s8 =	sld [smem:$0x3FA5]  }
0x2e: {  	s3 =	simm.s32 @!p0 $0x1082;
	s9 =	sld [smem:$0x3FA6]  }
0x2f: {  	lr =	sadd.s32 s0, s3;
	s0 =	sld [smem:$0x3F9D]  }
0x30: {  	s3 =	sld [smem:$0x3FA0]  }
0x31: {  	[smem:$0x3FA9] =	sst s10  }
0x32: {  	s10 =	sld [smem:$0x3FA7];
	_ =	sdelay $0x3  }
0x33: {  	p0 =	seq.s32 s10, $0x1;
	s10 =	sld [smem:$0x3FA9];
	_ =	sdelay $0x3  }
0x34: {  	[smem:$0x3FA9] =	sst s10  }
0x35: {  	s10 =	sld [smem:$0x3FA8];
	_ =	sdelay $0x3  }
0x36: {  	p1 =	seq.s32 s10, $0x1;
	s10 =	sld [smem:$0x3FA9];
	_ =	sdelay $0x3  }
0x37: {  	[smem:$0x3FA9] =	sst s10  }
0x38: {  	s10 =	sld [smem:$0x3FAA]  }
0x39: {  	_ = 	snop;
	(pc) =	sbr.ind lr, $3  }
0x3a: {  	_ = 	snop  }
0x3b: {  	_ = 	snop  }
0x3c: {  	p2 =	seq.s32 s10, $0x1;
	s10 =	sld [smem:$0x3FA9]  }
0x3d: {  	_ =	shalt  }
0x3e: {  	_ =	shalt  }
0x3f: {  	_ =	shalt  }
0x40: {  	_ =	shalt  }
0x41: {  	_ =	shalt  }
0x42: {  	_ =	shalt  }
0x43: {  	_ =	shalt  }
0x44: {  	_ =	shalt  }
0x45: {  	_ =	shalt  }
0x46: {  	_ =	shalt  }
0x47: {  	_ =	shalt  }
0x48: {  	_ =	shalt  }
0x49: {  	_ =	shalt  }
0x4a: {  	_ =	shalt  }
0x4b: {  	_ =	shalt  }
0x4c: {  	_ =	shalt  }
0x4d: {  	_ =	shalt  }
0x4e: {  	_ =	shalt  }
0x4f: {  	_ =	shalt  }
0x50: {  	_ =	shalt  }
0x51: {  	_ =	shalt  }
0x52: {  	_ =	shalt  }
0x53: {  	_ =	shalt  }
0x54: {  	_ =	shalt  }
0x55: {  	_ =	shalt  }
0x56: {  	_ =	shalt  }
0x57: {  	_ =	shalt  }
0x58: {  	_ =	shalt  }
0x59: {  	_ =	shalt  }
0x5a: {  	_ =	shalt  }
0x5b: {  	_ =	shalt  }
0x5c: {  	_ =	shalt  }
0x5d: {  	_ =	shalt  }
0x5e: {  	_ =	shalt  }
0x5f: {  	_ =	shalt  }
0x60: {  	_ =	shalt  }
0x61: {  	_ =	shalt  }
0x62: {  	_ =	shalt  }
0x63: {  	_ =	shalt  }
0x64: {  	_ =	shalt  }
0x65: {  	_ =	shalt  }
0x66: {  	_ =	shalt  }
0x67: {  	_ =	shalt  }
0x68: {  	_ =	shalt  }
0x69: {  	_ =	shalt  }
0x6a: {  	_ =	shalt  }
0x6b: {  	_ =	shalt  }
0x6c: {  	_ =	shalt  }
0x6d: {  	_ =	shalt  }
0x6e: {  	_ =	shalt  }
0x6f: {  	_ =	shalt  }
0x70: {  	_ =	shalt  }
0x71: {  	_ =	shalt  }
0x72: {  	_ =	shalt  }
0x73: {  	_ =	shalt  }
0x74: {  	_ =	shalt  }
0x75: {  	_ =	shalt  }
0x76: {  	_ =	shalt  }
0x77: {  	_ =	shalt  }
0x78: {  	_ =	shalt  }
0x79: {  	_ =	shalt  }
0x7a: {  	_ =	shalt  }
0x7b: {  	_ =	shalt  }
0x7c: {  	_ =	shalt  }
0x7d: {  	_ =	shalt  }
0x7e: {  	_ =	shalt  }
0x7f: {  	_ =	shalt  }
0x80: {  	_ =	shalt  }
0x81: {  	_ =	shalt  }
0x82: {  	_ =	shalt  }
0x83: {  	_ =	shalt  }
0x84: {  	_ =	shalt  }
0x85: {  	_ =	shalt  }
0x86: {  	_ =	shalt  }
0x87: {  	_ =	shalt  }
.Lfunc_end0:
.L_simem_size_0:
called_computation.3_lowered:
.L_overlay_start_0:
0x88: {  	s2 =	sld [smem:$0x3FD9]  }
0x89: {  	s3 =	sld [smem:$0x3FFE];
	_ =	sdelay $0x1  }
0x8a: {  	s1 =	srdreg.scid  }
0x8b: {  	s0 =	sand.u32 $0x1, s1  }
0x8c: {  	s17 =	sshll.u32 s0, $0xA;
	s2 =	sadd.s32 s3, s2  }
0x8d: {  	s2 =	sadd.s32 s2, s17  }
0x8e: {  	[smem:$0x3FB5] =	sst s2  }
0x8f: {  	_ = 	snop  }
0x90: {  	(tm) =	ssettm $0x1  }
0x91: {  	s18 =	sld [smem:$0x3FFB];
	_ =	sdelay $0x3  }
0x92: {  	_ =	strace s18  }
0x93: {  	s2 =	sld [smem:$0x3FFC];
	_ =	sdelay $0x3  }
0x94: {  	_ =	strace s2  }
0x95: {  	s2 =	sld [smem:$0x3FFD];
	_ =	sdelay $0x3  }
0x96: {  	_ =	strace s2  }
0x97: {  	_ =	strace $0x8FFFFFFF  }
0x98: {  	s19 =	sld [smem:$0x3FDB];
	_ =	sdelay $0x1  }
0x99: {  	s20 =	simm.s32 $_scs_section_size  }
0x9a: {  	s4 =	simm.s32 $_size__tile_overlayer_lowered;
	s5 =	simm.s32 $_tile_overlayer_lowered  }
0x9b: {  	s6 =	simm.s32 $0x1BFF;
	s21 =	sshll.u32 s5, $0x1;
	s3 =	sadd.s32 s20, s19  }
0x9c: {  	s22 =	simm.s32 $0x0;
	s4 =	sshll.u32 s4, $0x1;
	s5 =	sadd.s32 s21, s3  }
0x9d: {  	[timem:s22], [sflag:s6] =	dma.local [hbm:s5], s4  }
0x9e: {  	_ =	swait.ge [sflag:s6], s4  }
0x9f: {  	s4 =	ssub.s32 $0x0, s4;
	[sflag:s6] =	ssyncset.done $0x0  }
0xa0: {  	[sflag:s6] =	ssyncadd.s32 s4;
	_ =	sdelay $0x1  }
0xa1: {  	s23 =	simm.s32 $0x1B8B  }
0xa2: {  	_ =	swait.ge [sflag:s23], $0x1  }
0xa3: {  	[sflag:s23] =	ssyncset.done $0x0  }
0xa4: {  	[sflag:s23] =	ssyncadd.s32 $0xFFFFFFFF  }
0xa5: {  	s4 =	sld [smem:$0x0]  }
0xa6: {  	s5 =	sand.u32 $0xFFFFFFFE, s1  }
0xa7: {  	p0 =	sne.s32 s1, s5  }
0xa8: {  	s5 =	sshll.u32 @p0 s5, $0xE  }
0xa9: {  	s5 =	sadd.s32 @p0 $0x11B8D, s5;
	s6 =	sshll.u32 @p0 s4, $0x11  }
0xaa: {  	s5 =	sor.u32 @p0 s6, s5  }
0xab: {  	[sflag:s5] =	ssyncadd.remote.s32 @p0 $0x1;
	_ =	sdelay $0x1  }
0xac: {  	s5 =	simm.s32 @p0 $0x1B8D  }
0xad: {  	_ =	swait.eq @p0 [sflag:s5], $0x1  }
0xae: {  	[sflag:s5] =	ssyncadd.s32 @p0 $0xFFFFFFFF  }
0xaf: {  	s6 =	sshll.u32 @!p0 s1, $0xE  }
0xb0: {  	s6 =	sor.u32 @!p0 $0x4000, s6;
	s5 =	simm.s32 @!p0 $0x1B8D  }
0xb1: {  	s4 =	sshll.u32 @!p0 s4, $0x11;
	s6 =	sadd.s32 @!p0 $0x11B8D, s6;
	_ =	swait.eq @!p0 [sflag:s5], $0x1  }
0xb2: {  	s4 =	sor.u32 @!p0 s4, s6;
	[sflag:s5] =	ssyncadd.s32 @!p0 $0xFFFFFFFF  }
0xb3: {  	s25 =	simm.s32 $0x1B8E;
	s24 =	sld [smem:$0x3FFE];
	[sflag:s4] =	ssyncadd.remote.s32 @!p0 $0x1  }
0xb4: {  	s26 =	simm.s32 $execute0_lowered;
	[smem:$0x3FD2] =	sst s25  }
0xb5: {  	s5 =	sshll.u32 s26, $0x1;
	_ =	strace $0x8000004C;
	[dreg:$0x1] =	wrdreg $0xFFFFFFFF  }
0xb6: {  	s28 =	simm.s32 $_size_execute0_lowered;
	s3 =	sadd.s32 s3, s5;
	[dreg:$0x0] =	wrdreg $0x0  }
0xb7: {  	s5 =	sshll.u32 s28, $0x1;
	[dreg:$0x2] =	wrdreg s3  }
0xb8: {  	[dreg:$0x3] =	wrdreg s5  }
0xb9: {  	[dreg:$0x4] =	wrdreg $0xC0  }
0xba: {  	_ =	task [dreg:s22], $0x5FFFF  }
0xbb: {  	[dreg:$0x1] =	wrdreg $0xFFFFFFFF  }
0xbc: {  	[dreg:$0x0] =	wrdreg $0x60  }
0xbd: {  	[dreg:$0x2] =	wrdreg s24  }
0xbe: {  	[dreg:$0x3] =	wrdreg $0x68000  }
0xbf: {  	[dreg:$0x4] =	wrdreg $0xA  }
0xc0: {  	_ =	task.clear_ibuf [dreg:s22], $0x5FFFF;
	_ =	strace $0x9000004C  }
0xc1: {  	s29 =	simm.s32 $0xA;
	_ =	strace $0x8000004E  }
0xc2: {  	_ =	swait.ge [sflag:s29], $0x1  }
0xc3: {  	[sflag:s29] =	ssyncadd.s32 $0xFFFFFFFF  }
0xc4: {  	_ =	strace $0x9000004E  }
0xc5: {  	_ =	sfence  }
0xc6: {  	s30 =	sld [smem:$0x0];
	_ =	sdelay $0x2  }
0xc7: {  	s31 =	sshll.u32 s1, $0xD;
	s1 =	sshrl.u32 s1, $0x2  }
0xc8: {  	s4 =	sand.u32 $0x4000, s31;
	s1 =	sadd.s32 s1, s30  }
0xc9: {  	s0 =	sor.u32 s4, s0;
	s1 =	sshll.u32 s1, $0x11  }
0xca: {  	s0 =	sor.u32 s1, s0  }
0xcb: {  	s0 =	sadd.s32 $0x8F2B, s0  }
0xcc: {  	[sflag:s0] =	ssyncadd.remote.s32 $0x1  }
0xcd: {  	_ =	sfence.sel $0xFFFF  }
0xce: {  	[dreg:$0x0] =	wrdreg $0xFFFFFFFF;
	(pc) =	sbr.abs _section_cstart, $3  }
0xcf: {  	[dreg:$0x1] =	wrdreg $0xFFFFFFFF  }
0xd0: {  	_ =	task.clear_ibuf [dreg:s22], $0x2FFFF;
	_ =	strace $0x9FFFFFFF  }
0xd1: {  	(tm) =	ssettm $0x7FFFFFFF  }
tec
execute0_lowered:
.L_overlay_start_1:
0x0: {  	(tag) =	ssettag $0x1  }
0x1: {  	s6 =	rddreg [dreg:$0x0]  }
0x2: {  	s2 =	rddreg [dreg:$0x1]  }
0x3: {  	s0 =	rddreg [dreg:$0x2];
	s1 =	stileid.u32  }
0x4: {  	s3 =	simm.s32 $0x0;
	s8 =	srdreg.scid;
	s5 =	smul.u32 $0x500, s1  }
0x5: {  	s15 =	simm.s32 $0x2800;
	s16 =	simm.s32 $0x80;
	s7 =	smul.u32 $0x28000, s1  }
0x6: {  	s17 =	simm.s32 $0x0;
	[smem:$0x7FF] =	sst s3;
	s4 =	smul.u32 $0x2780, s1  }
0x7: {  	s13 =	sand.u32 $0x1, s8;
	s11 =	smul.u32 $0x4F000, s1;
	s31 =	sshll.u32 s1, $0x6  }
0x8: {  	_ =	strace $0x8000004D;
	s29 =	ssub.s32 $0x2, s13;
	s8 =	sor.u32 $0x1C01, s31  }
0x9: {  	p0 =	sne.s32 s13, $0x0;
	s9 =	sadd.s32 s5, s6;
	s12 =	sadd.s32 s7, s6  }
.Ltmp0:
0xa: {  	s30 =	sadd.s32 s4, s6;
	s10 =	sshrl.u32 s29, $0x1;
	(pc) =	sbr.rel .LBB2_1-.Ltmp0, $4  }
0xb: {  	s5 =	sadd.s32 $0xCBEA00, s6;
	s6 =	sadd.s32 $0xCE6200, s6;
	s11 =	sshrl.u32 s11, $0x2  }
0xc: {  	s10 =	ssub.s32 s29, s10;
	s7 =	sadd.s32 $0xC97200, s30;
	s9 =	sadd.s32 $0xA12200, s9  }
0xd: {  	s14 =	sadd.s32 s11, s2;
	s11 =	sadd.s32 $0x1679200, s12;
	s12 =	sadd.s32 $0x13F9200, s12  }
0xe: {  	s10 =	smax.u32 s10, $0x1;
	s13 =	sshrl.u32 s14, $0x3;
	s14 =	simm.s32 $0x1  }
.LBB2_7:
0xf: {  	[sflag:s14] =	ssyncadd.s32 $0xFFFFC000;
	s18 =	smov.u32 s6  }
.LBB2_8:
0x10: {  	s17 =	sadd.s32 $0x1, s17  }
0x11: {  	p1 =	sne.s32 s17, s10  }
.Ltmp1:
0x12: {  	s18 =	sadd.s32 s18, s4;
	[bflag:$0x0] =	sbarrier.arrive $0xFFFF;
	(pc) =	sbr.rel @!p1 .LBB2_9-.Ltmp1, $4  }
0x13: {  	[hbm:s18], [sflag:s8] =	dma.local [spmem:s13], $0x2780  }
0x14: {  	_ =	swait.ge [sflag:s14], $0x2780  }
0x15: {  	[sflag:s14] =	ssyncset.done $0x0  }
0x16: {  	[sflag:s14] =	ssyncadd.s32 $0xFFFFD880  }
.LBB2_1:
0x17: {  	[spmem:s13], [sflag:s8] =	dma.local [hbm:s7], $0x2780  }
0x18: {  	_ =	swait.ge [sflag:s14], $0x2780  }
0x19: {  	[sflag:s14] =	ssyncset.done $0x0  }
0x1a: {  	[sflag:s14] =	ssyncadd.s32 $0xFFFFD880  }
0x1b: {  	[tilespmem:s3], [sflag:$0x1] =	stream.linear.gather [hbm4b:s9+s3], $0x2800, $0x38;
	[tilespmem:$0x1A400] =	vst v63  }
.Ltmp2:
0x1c: {  	_ =	swait.ge [sflag:s14], $0x2800;
	(pc) =	sbr.rel @p0 .LBB2_5-.Ltmp2, $3  }
0x1d: {  	[sflag:s14] =	ssyncset.done $0x0  }
0x1e: {  	[sflag:s14] =	ssyncadd.s32 $0xFFFFD800  }
0x1f: {  	[bflag:$0x0] =	sbarrier.arrive $0xFFFF;
	_ =	sdelay $0x1  }
0x20: {  	[tilespmem:s15], [sflag:$0x1] =	stream.linear.gather [hbm4b:s12+s3], $0x4000, $0x38;
	[tilespmem:$0x1A400] =	vst v63  }
0x21: {  	_ =	swait.ge [sflag:s14], $0x4000  }
0x22: {  	[sflag:s14] =	ssyncset.done $0x0  }
0x23: {  	s18 =	simm.s32 $0x0;
	[sflag:s14] =	ssyncadd.s32 $0xFFFFC000  }
0x24: {  	[spmem:s2] =	stream.indirect.scatter.add.f32 [tilespmem:s15], [sflag:$0x1], $0x80, s18, s16, $0xb8;
	[tilespmem:$0x1A400] =	vst v63  }
0x25: {  	_ =	swait.ge [sflag:s14], $0x4000  }
0x26: {  	s19 =	smov.u32 s12;
	s18 =	simm.s32 $0x200;
	[sflag:s14] =	ssyncset.done $0x0  }
.LBB2_3:
0x27: {  	p1 =	seq.s32 s18, $0x9E00;
	[sflag:s14] =	ssyncadd.s32 $0xFFFFC000;
	s19 =	sadd.s32 $0x800, s19  }
0x28: {  	[tilespmem:s15], [sflag:$0x1] =	stream.linear.gather [hbm4b:s19+s3], $0x4000, $0x38;
	[tilespmem:$0x1A400] =	vst v63  }
0x29: {  	s20 =	smov.u32 s18;
	s18 =	sadd.s32 $0x200, s18;
	_ =	swait.ge [sflag:s14], $0x4000  }
.Ltmp3:
0x2a: {  	[sflag:s14] =	ssyncset.done $0x0;
	(pc) =	sbr.rel @!p1 .LBB2_3-.Ltmp3, $4  }
0x2b: {  	s20 =	sshra.s32 s20, $0x2;
	[sflag:s14] =	ssyncadd.s32 $0xFFFFC000  }
0x2c: {  	[spmem:s2] =	stream.indirect.scatter.add.f32 [tilespmem:s15], [sflag:$0x1], $0x80, s20, s16, $0xb8;
	[tilespmem:$0x1A400] =	vst v63  }
0x2d: {  	_ =	swait.ge [sflag:s14], $0x4000  }
0x2e: {  	[sflag:s14] =	ssyncset.done $0x0  }
.Ltmp4:
0x2f: {  	(pc) =	sbr.rel .LBB2_8-.Ltmp4, $2  }
0x30: {  	_ =	sdelay $0x2  }
0x31: {  	[sflag:s14] =	ssyncadd.s32 $0xFFFFC000;
	s18 =	smov.u32 s5  }
.LBB2_5:
0x32: {  	[tilespmem:s15], [sflag:$0x1] =	stream.linear.gather [hbm4b:s11+s3], $0x4000, $0x38;
	[tilespmem:$0x1A400] =	vst v63  }
0x33: {  	_ =	swait.ge [sflag:s14], $0x4000  }
0x34: {  	[sflag:s14] =	ssyncset.done $0x0  }
0x35: {  	s18 =	simm.s32 $0x0;
	[sflag:s14] =	ssyncadd.s32 $0xFFFFC000  }
0x36: {  	[spmem:s2] =	stream.indirect.scatter.add.f32 [tilespmem:s15], [sflag:$0x1], $0x80, s18, s16, $0xb8;
	[tilespmem:$0x1A400] =	vst v63  }
0x37: {  	_ =	swait.ge [sflag:s14], $0x4000  }
0x38: {  	s19 =	smov.u32 s11;
	s18 =	simm.s32 $0x200;
	[sflag:s14] =	ssyncset.done $0x0  }
.LBB2_6:
0x39: {  	p1 =	sne.s32 s18, $0x9E00;
	[sflag:s14] =	ssyncadd.s32 $0xFFFFC000;
	s19 =	sadd.s32 $0x800, s19  }
0x3a: {  	[tilespmem:s15], [sflag:$0x1] =	stream.linear.gather [hbm4b:s19+s3], $0x4000, $0x38;
	[tilespmem:$0x1A400] =	vst v63  }
0x3b: {  	s20 =	smov.u32 s18;
	s18 =	sadd.s32 $0x200, s18;
	_ =	swait.ge [sflag:s14], $0x4000  }
.Ltmp5:
0x3c: {  	[sflag:s14] =	ssyncset.done $0x0;
	(pc) =	sbr.rel @p1 .LBB2_6-.Ltmp5, $4  }
0x3d: {  	s20 =	sshra.s32 s20, $0x2;
	[sflag:s14] =	ssyncadd.s32 $0xFFFFC000  }
0x3e: {  	[spmem:s2] =	stream.indirect.scatter.add.f32 [tilespmem:s15], [sflag:$0x1], $0x80, s20, s16, $0xb8;
	[tilespmem:$0x1A400] =	vst v63  }
0x3f: {  	_ =	swait.ge [sflag:s14], $0x4000  }
0x40: {  	[sflag:s14] =	ssyncset.done $0x0  }
.Ltmp6:
0x41: {  	_ = 	snop;
	(pc) =	sbr.rel .LBB2_7-.Ltmp6, $1  }
0x42: {  	_ =	sdelay $0x3  }
.LBB2_9:
0x43: {  	_ =	sfence.sel $0x180000  }
0x44: {  	[bflag:$0x0] =	sbarrier.arrive $0xFFFF  }
0x45: {  	p0 =	sne.s32 s1, $0x0;
	_ =	strace $0x9000004D  }
0x46: {  	s0 =	sadd.s32 @!p0 $0x100000, s0;
	[bflag:$0x2] =	sbarrier.arrive $0xFFFF  }
0x47: {  	[sflag:s0] =	ssyncadd.tile.s32 @!p0 $0x1;
	_ =	shalt  }
.Lfunc_end2:
_tile_overlayer_lowered:
.L_overlay_start_2:
0x48: {  	(tag) =	ssettag $0x2  }
0x49: {  	s0 =	rddreg [dreg:$0x0];
	s2 =	stileid.u32  }
0x4a: {  	s1 =	rddreg [dreg:$0x1];
	p0 =	sne.s32 s2, $0x0  }
0x4b: {  	s3 =	rddreg [dreg:$0x2];
	[bflag:$0x3] =	sbarrier.arrive $0xFFFF;
	s2 =	simm.s32 @!p0 $0x1C01  }
0x4c: {  	[timem:s3], [sflag:s2] =	dma.local @!p0 [hbm:s0], s1  }
0x4d: {  	s0 =	simm.s32 @!p0 $0x1  }
0x4e: {  	_ =	swait.ge @!p0 [sflag:s0], s1  }
0x4f: {  	s1 =	ssub.s32 @!p0 $0x0, s1;
	[sflag:s0] =	ssyncset.done @!p0 $0x0  }
0x50: {  	[sflag:s0] =	ssyncadd.s32 @!p0 s1  }
0x51: {  	[bflag:$0x3] =	sbarrier.arrive $0xFFFF  }
0x52: {  	_ =	shalt  }

// kernel: kernel.9.cloned.1.call-start
scs
__scs_entry_jumppad:
0x0: {  	(pc) =	sbr.rel $0x88, $3  }
0x1: {  	(tag) =	ssettag $0x0;
	lr =	simm.s32 $0x1  }
0x2: {  	[smem:$0x3F8E] =	sst lr;
	_ =	strace $0xD0000000  }
0x3: {  	_ = 	snop  }
0x4: {  	_ = 	snop  }
0x5: {  	_ = 	snop  }
0x6: {  	_ = 	snop  }
0x7: {  	_ = 	snop  }
__scs_overlays_trampoline_lowered:
0x8: {  	[smem:$0x3F9D] =	sst s0  }
0x9: {  	[smem:$0x3F9E] =	sst s1  }
0xa: {  	[smem:$0x3F9F] =	sst s2  }
0xb: {  	[smem:$0x3FA0] =	sst s3  }
0xc: {  	[smem:$0x3FA1] =	sst s4  }
0xd: {  	[smem:$0x3FA2] =	sst s5  }
0xe: {  	[smem:$0x3FA3] =	sst s6  }
0xf: {  	[smem:$0x3FA4] =	sst s7  }
0x10: {  	[smem:$0x3FA5] =	sst s8  }
0x11: {  	[smem:$0x3FA6] =	sst s9;
	s0 =	simm.s32 @!p0 $0x0  }
0x12: {  	s1 =	sld [smem:$0x3F8C];
	s0 =	simm.s32 @p0 $0x1  }
0x13: {  	[smem:$0x3FA7] =	sst s0;
	s0 =	simm.s32 @!p1 $0x0  }
0x14: {  	s2 =	sld [smem:$0x3F8B];
	s0 =	simm.s32 @p1 $0x1  }
0x15: {  	[smem:$0x3FA8] =	sst s0;
	s0 =	simm.s32 @!p2 $0x0  }
0x16: {  	s3 =	sld [smem:$0x3FDB];
	s0 =	simm.s32 @p2 $0x1  }
0x17: {  	s4 =	simm.s32 $0x1BF5;
	[smem:$0x3FAA] =	sst s0  }
0x18: {  	s0 =	sld [smem:$0x3F8D];
	_ =	swait.ge [sflag:s4], $0x0  }
0x19: {  	s7 =	sld [smem:$0x3F8E]  }
0x1a: {  	s8 =	sadd.s32 $0xFFFFE003, lr  }
0x1b: {  	s9 =	sadd.s32 $0xFFFFFEF7, lr;
	s5 =	simm.s32 $0xFFFFFFFF;
	p2 =	slt.u32 s8, $0xFFFFF086  }
0x1c: {  	p1 =	slt.u32 s9, $0xF7A;
	s5 =	simm.s32 @!p2 $0x0  }
0x1d: {  	s5 =	simm.s32 @p1 $0x1;
	p0 =	seq.s32 s7, s2  }
0x1e: {  	s7 =	smul.u32 @!p0 $0xF7A, s2;
	p2 =	seq.s32 @!p0 s5, $0x0  }
0x1f: {  	s9 =	smul.u32 $0xF7A, s1;
	s8 =	simm.s32 @!p0 $0x1BF5;
	p2 =	por !p2, p0  }
0x20: {  	[sflag:s8] =	ssyncset.s32 @!p0 $0xFFFFF086;
	s6 =	sadd.s32 @!p0 s3, s7;
	s7 =	simm.s32 @!p0 $0x108  }
0x21: {  	s3 =	sadd.s32 s3, s9;
	s6 =	sadd.s32 @!p0 $0x88, s6;
	s7 =	simm.s32 @p2 $0x1082  }
0x22: {  	[simem:s7], [sflag:s8] =	dma.local @!p0 [hbm:s6], $0xF7A  }
0x23: {  	s9 =	sor.u32 $0xD0000000, s2;
	s6 =	simm.s32 $0x108;
	_ =	swait.ge @!p0 [sflag:s8], $0x0  }
0x24: {  	s3 =	sadd.s32 $0x88, s3;
	s6 =	simm.s32 @!p1 $0x1082;
	[sflag:s4] =	ssyncset.s32 $0xFFFFF086  }
0x25: {  	[simem:s6], [sflag:s4] =	dma.local [hbm:s3], $0xF7A  }
0x26: {  	[smem:$0x3F8E] =	sst s1;
	(tag) =	ssettag s2;
	_ =	strace s9  }
0x27: {  	s1 =	sld [smem:$0x3F9E]  }
0x28: {  	s2 =	sld [smem:$0x3F9F]  }
0x29: {  	s4 =	sld [smem:$0x3FA1]  }
0x2a: {  	p0 =	seq.s32 s5, $0x0;
	s5 =	sld [smem:$0x3FA2]  }
0x2b: {  	s6 =	sld [smem:$0x3FA3]  }
0x2c: {  	s7 =	sld [smem:$0x3FA4]  }
0x2d: {  	s3 =	simm.s32 $0x108;
	s8 =	sld [smem:$0x3FA5]  }
0x2e: {  	s3 =	simm.s32 @!p0 $0x1082;
	s9 =	sld [smem:$0x3FA6]  }
0x2f: {  	lr =	sadd.s32 s0, s3;
	s0 =	sld [smem:$0x3F9D]  }
0x30: {  	s3 =	sld [smem:$0x3FA0]  }
0x31: {  	[smem:$0x3FA9] =	sst s10  }
0x32: {  	s10 =	sld [smem:$0x3FA7];
	_ =	sdelay $0x3  }
0x33: {  	p0 =	seq.s32 s10, $0x1;
	s10 =	sld [smem:$0x3FA9];
	_ =	sdelay $0x3  }
0x34: {  	[smem:$0x3FA9] =	sst s10  }
0x35: {  	s10 =	sld [smem:$0x3FA8];
	_ =	sdelay $0x3  }
0x36: {  	p1 =	seq.s32 s10, $0x1;
	s10 =	sld [smem:$0x3FA9];
	_ =	sdelay $0x3  }
0x37: {  	[smem:$0x3FA9] =	sst s10  }
0x38: {  	s10 =	sld [smem:$0x3FAA]  }
0x39: {  	_ = 	snop;
	(pc) =	sbr.ind lr, $3  }
0x3a: {  	_ = 	snop  }
0x3b: {  	_ = 	snop  }
0x3c: {  	p2 =	seq.s32 s10, $0x1;
	s10 =	sld [smem:$0x3FA9]  }
0x3d: {  	_ =	shalt  }
0x3e: {  	_ =	shalt  }
0x3f: {  	_ =	shalt  }
0x40: {  	_ =	shalt  }
0x41: {  	_ =	shalt  }
0x42: {  	_ =	shalt  }
0x43: {  	_ =	shalt  }
0x44: {  	_ =	shalt  }
0x45: {  	_ =	shalt  }
0x46: {  	_ =	shalt  }
0x47: {  	_ =	shalt  }
0x48: {  	_ =	shalt  }
0x49: {  	_ =	shalt  }
0x4a: {  	_ =	shalt  }
0x4b: {  	_ =	shalt  }
0x4c: {  	_ =	shalt  }
0x4d: {  	_ =	shalt  }
0x4e: {  	_ =	shalt  }
0x4f: {  	_ =	shalt  }
0x50: {  	_ =	shalt  }
0x51: {  	_ =	shalt  }
0x52: {  	_ =	shalt  }
0x53: {  	_ =	shalt  }
0x54: {  	_ =	shalt  }
0x55: {  	_ =	shalt  }
0x56: {  	_ =	shalt  }
0x57: {  	_ =	shalt  }
0x58: {  	_ =	shalt  }
0x59: {  	_ =	shalt  }
0x5a: {  	_ =	shalt  }
0x5b: {  	_ =	shalt  }
0x5c: {  	_ =	shalt  }
0x5d: {  	_ =	shalt  }
0x5e: {  	_ =	shalt  }
0x5f: {  	_ =	shalt  }
0x60: {  	_ =	shalt  }
0x61: {  	_ =	shalt  }
0x62: {  	_ =	shalt  }
0x63: {  	_ =	shalt  }
0x64: {  	_ =	shalt  }
0x65: {  	_ =	shalt  }
0x66: {  	_ =	shalt  }
0x67: {  	_ =	shalt  }
0x68: {  	_ =	shalt  }
0x69: {  	_ =	shalt  }
0x6a: {  	_ =	shalt  }
0x6b: {  	_ =	shalt  }
0x6c: {  	_ =	shalt  }
0x6d: {  	_ =	shalt  }
0x6e: {  	_ =	shalt  }
0x6f: {  	_ =	shalt  }
0x70: {  	_ =	shalt  }
0x71: {  	_ =	shalt  }
0x72: {  	_ =	shalt  }
0x73: {  	_ =	shalt  }
0x74: {  	_ =	shalt  }
0x75: {  	_ =	shalt  }
0x76: {  	_ =	shalt  }
0x77: {  	_ =	shalt  }
0x78: {  	_ =	shalt  }
0x79: {  	_ =	shalt  }
0x7a: {  	_ =	shalt  }
0x7b: {  	_ =	shalt  }
0x7c: {  	_ =	shalt  }
0x7d: {  	_ =	shalt  }
0x7e: {  	_ =	shalt  }
0x7f: {  	_ =	shalt  }
0x80: {  	_ =	shalt  }
0x81: {  	_ =	shalt  }
0x82: {  	_ =	shalt  }
0x83: {  	_ =	shalt  }
0x84: {  	_ =	shalt  }
0x85: {  	_ =	shalt  }
0x86: {  	_ =	shalt  }
0x87: {  	_ =	shalt  }
.Lfunc_end0:
.L_simem_size_0:
called_computation_lowered:
.L_overlay_start_0:
0x88: {  	s2 =	sld [smem:$0x3FD9]  }
0x89: {  	s3 =	sld [smem:$0x3FFE];
	_ =	sdelay $0x1  }
0x8a: {  	s1 =	srdreg.scid  }
0x8b: {  	s0 =	sand.u32 $0x1, s1  }
0x8c: {  	s15 =	sshll.u32 s0, $0xA;
	s2 =	sadd.s32 s3, s2  }
0x8d: {  	s2 =	sadd.s32 s2, s15  }
0x8e: {  	[smem:$0x3FB5] =	sst s2  }
0x8f: {  	_ = 	snop  }
0x90: {  	s16 =	sld [smem:$0x3FD0];
	_ =	sdelay $0x2  }
0x91: {  	s4 =	simm.s32 $0xB;
	s5 =	simm.s32 $0x10;
	s2 =	sld [smem:$0x3FC9]  }
0x92: {  	[smem:s5], [sflag:s4] =	dma.local [hbm:s16], $0x1  }
0x93: {  	_ =	swait.eq [sflag:s4], $0x1  }
0x94: {  	[sflag:s4] =	ssyncset.done $0x0  }
0x95: {  	[sflag:s4] =	ssyncadd.s32 $0xFFFFFFFF  }
0x96: {  	s17 =	sld [smem:$0x10];
	(tm) =	ssettm $0x1  }
0x97: {  	s18 =	sld [smem:$0x3FFB];
	_ =	sdelay $0x3  }
0x98: {  	_ =	strace s18  }
0x99: {  	s3 =	sld [smem:$0x3FFC];
	_ =	sdelay $0x3  }
0x9a: {  	_ =	strace s3  }
0x9b: {  	s3 =	sld [smem:$0x3FFD];
	_ =	sdelay $0x3  }
0x9c: {  	_ =	strace s3  }
0x9d: {  	_ =	strace $0x8FFFFFFF  }
0x9e: {  	s19 =	sld [smem:$0x3FDB];
	_ =	sdelay $0x1  }
0x9f: {  	s20 =	simm.s32 $_scs_section_size  }
0xa0: {  	s6 =	simm.s32 $_size__tile_overlayer_lowered;
	s7 =	simm.s32 $_tile_overlayer_lowered  }
0xa1: {  	s8 =	simm.s32 $0x1BFF;
	s21 =	sshll.u32 s7, $0x1;
	s5 =	sadd.s32 s20, s19  }
0xa2: {  	s22 =	simm.s32 $0x0;
	s6 =	sshll.u32 s6, $0x1;
	s7 =	sadd.s32 s21, s5  }
0xa3: {  	[timem:s22], [sflag:s8] =	dma.local [hbm:s7], s6  }
0xa4: {  	_ =	swait.ge [sflag:s8], s6  }
0xa5: {  	s6 =	ssub.s32 $0x0, s6;
	[sflag:s8] =	ssyncset.done $0x0  }
0xa6: {  	[sflag:s8] =	ssyncadd.s32 s6;
	_ =	sdelay $0x1  }
0xa7: {  	s23 =	simm.s32 $0x1B8B  }
0xa8: {  	_ =	swait.ge [sflag:s23], $0x1  }
0xa9: {  	[sflag:s23] =	ssyncset.done $0x0  }
0xaa: {  	[sflag:s23] =	ssyncadd.s32 $0xFFFFFFFF  }
0xab: {  	s6 =	sld [smem:$0x0]  }
0xac: {  	s7 =	sand.u32 $0xFFFFFFFE, s1  }
0xad: {  	p0 =	sne.s32 s1, s7  }
0xae: {  	s7 =	sshll.u32 @p0 s7, $0xE  }
0xaf: {  	s7 =	sadd.s32 @p0 $0x11B8D, s7;
	s8 =	sshll.u32 @p0 s6, $0x11  }
0xb0: {  	s7 =	sor.u32 @p0 s8, s7  }
0xb1: {  	[sflag:s7] =	ssyncadd.remote.s32 @p0 $0x1;
	_ =	sdelay $0x1  }
0xb2: {  	s7 =	simm.s32 @p0 $0x1B8D  }
0xb3: {  	_ =	swait.eq @p0 [sflag:s7], $0x1  }
0xb4: {  	[sflag:s7] =	ssyncadd.s32 @p0 $0xFFFFFFFF  }
0xb5: {  	s8 =	sshll.u32 @!p0 s1, $0xE  }
0xb6: {  	s8 =	sor.u32 @!p0 $0x4000, s8;
	s7 =	simm.s32 @!p0 $0x1B8D  }
0xb7: {  	s6 =	sshll.u32 @!p0 s6, $0x11;
	s8 =	sadd.s32 @!p0 $0x11B8D, s8;
	_ =	swait.eq @!p0 [sflag:s7], $0x1  }
0xb8: {  	s6 =	sor.u32 @!p0 s6, s8;
	[sflag:s7] =	ssyncadd.s32 @!p0 $0xFFFFFFFF  }
0xb9: {  	s25 =	simm.s32 $0x1B8E;
	s24 =	sld [smem:$0x3FFE];
	[sflag:s6] =	ssyncadd.remote.s32 @!p0 $0x1  }
0xba: {  	s26 =	simm.s32 $execute0_lowered;
	[smem:$0x3FD2] =	sst s25  }
0xbb: {  	s7 =	sshll.u32 s26, $0x1;
	_ =	strace $0x80000049;
	[dreg:$0x1] =	wrdreg $0xFFFFFFFF  }
0xbc: {  	s28 =	simm.s32 $_size_execute0_lowered;
	s5 =	sadd.s32 s5, s7;
	[dreg:$0x0] =	wrdreg $0x0  }
0xbd: {  	s7 =	sshll.u32 s28, $0x1;
	[dreg:$0x2] =	wrdreg s5  }
0xbe: {  	[dreg:$0x3] =	wrdreg s7  }
0xbf: {  	[dreg:$0x4] =	wrdreg $0xC0  }
0xc0: {  	_ =	task [dreg:s22], $0x5FFFF  }
0xc1: {  	[dreg:$0x1] =	wrdreg $0xFFFFFFFF  }
0xc2: {  	[dreg:$0x0] =	wrdreg $0x60  }
0xc3: {  	[dreg:$0x2] =	wrdreg s2  }
0xc4: {  	[dreg:$0x3] =	wrdreg s17  }
0xc5: {  	[dreg:$0x4] =	wrdreg s24  }
0xc6: {  	[dreg:$0x5] =	wrdreg $0x9  }
0xc7: {  	_ =	task.clear_ibuf [dreg:s22], $0x6FFFF;
	_ =	strace $0x90000049  }
0xc8: {  	s29 =	simm.s32 $0x9;
	_ =	strace $0x8000004B  }
0xc9: {  	_ =	swait.ge [sflag:s29], $0x1  }
0xca: {  	[sflag:s29] =	ssyncadd.s32 $0xFFFFFFFF  }
0xcb: {  	_ =	strace $0x9000004B  }
0xcc: {  	_ =	sfence  }
0xcd: {  	s30 =	sld [smem:$0x0];
	_ =	sdelay $0x2  }
0xce: {  	s31 =	sshll.u32 s1, $0xD;
	s1 =	sshrl.u32 s1, $0x2  }
0xcf: {  	s4 =	sand.u32 $0x4000, s31;
	s1 =	sadd.s32 s1, s30  }
0xd0: {  	s0 =	sor.u32 s4, s0;
	s1 =	sshll.u32 s1, $0x11  }
0xd1: {  	s0 =	sor.u32 s1, s0  }
0xd2: {  	s0 =	sadd.s32 $0x8F2B, s0  }
0xd3: {  	[sflag:s0] =	ssyncadd.remote.s32 $0x1  }
0xd4: {  	_ =	sfence.sel $0xFFFF  }
0xd5: {  	[dreg:$0x0] =	wrdreg $0xFFFFFFFF;
	(pc) =	sbr.abs _section_cstart, $3  }
0xd6: {  	[dreg:$0x1] =	wrdreg $0xFFFFFFFF  }
0xd7: {  	_ =	task.clear_ibuf [dreg:s22], $0x2FFFF;
	_ =	strace $0x9FFFFFFF  }
0xd8: {  	(tm) =	ssettm $0x7FFFFFFF  }
0xd9: {  	_ =	shalt  }
tec
execute0_lowered:
.L_overlay_start_1:
0x0: {  	(tag) =	ssettag $0x1  }
0x1: {  	s1 =	rddreg [dreg:$0x0]  }
0x2: {  	s2 =	srdreg.scid;
	s4 =	rddreg [dreg:$0x1]  }
0x3: {  	s0 =	stileid.u32;
	s6 =	rddreg [dreg:$0x2]  }
0x4: {  	s3 =	simm.s32 $0x0;
	s12 =	simm.s32 $0x2800;
	s13 =	simm.s32 $0x6800  }
0x5: {  	s14 =	simm.s32 $0x0;
	s5 =	sand.u32 $0x1, s2;
	s2 =	rddreg [dreg:$0x3]  }
0x6: {  	s28 =	sshll.u32 s0, $0x1;
	[smem:$0x7FF] =	sst s3;
	s8 =	smul.u32 $0x28000, s0  }
0x7: {  	s7 =	sor.u32 s5, s28;
	s9 =	ssub.s32 $0x2, s5;
	s11 =	smul.u32 $0x14000, s5  }
0x8: {  	_ =	strace $0x8000004A;
	s7 =	smul.u32 $0x280, s7;
	s10 =	sshrl.u32 s9, $0x1  }
0x9: {  	s30 =	ssub.s32 s9, s10;
	s9 =	simm.s32 $0x1;
	s10 =	simm.s32 $0x1400  }
0xa: {  	s29 =	sadd.s32 s7, s6;
	s6 =	sadd.s32 s8, s6;
	s4 =	sadd.s32 s4, s7  }
0xb: {  	s5 =	sadd.s32 $0x50BE00, s29;
	s31 =	sadd.s32 s11, s6;
	s6 =	smax.u32 s30, $0x1  }
0xc: {  	s11 =	simm.s32 $0x80;
	s7 =	sadd.s32 $0x790E00, s31;
	s8 =	sadd.s32 $0x510E00, s31  }
.LBB2_1:
0xd: {  	[tilespmem:s3], [sflag:$0x1] =	stream.linear.gather [hbm4b:s4+s3], $0x1400, $0x38;
	[tilespmem:$0xA800] =	vst v63  }
0xe: {  	_ =	swait.ge [sflag:s9], $0x1400  }
0xf: {  	[sflag:s9] =	ssyncset.done $0x0  }
0x10: {  	[sflag:s9] =	ssyncadd.s32 $0xFFFFEC00  }
0x11: {  	[tilespmem:s10], [sflag:$0x1] =	stream.linear.gather [hbm4b:s5+s3], $0x1400, $0x38;
	[tilespmem:$0xA800] =	vst v63  }
0x12: {  	_ =	swait.ge [sflag:s9], $0x1400  }
0x13: {  	[sflag:s9] =	ssyncset.done $0x0  }
0x14: {  	s15 =	simm.s32 $0x0;
	[sflag:s9] =	ssyncadd.s32 $0xFFFFEC00  }
0x15: {  	[tilespmem:s12], [sflag:$0x1] =	stream.indirect.gather [hbm4b:s1+s11], $0x80, s15, s11, $0xb8;
	[tilespmem:$0xA800] =	vst v63  }
0x16: {  	_ =	swait.ge [sflag:s9], $0x4000  }
0x17: {  	[sflag:s9] =	ssyncset.done $0x0  }
0x18: {  	s31 =	simm.s32 $0x1400;
	[sflag:s9] =	ssyncadd.s32 $0xFFFFC000  }
0x19: {  	[tilespmem:s13], [sflag:$0x1] =	stream.indirect.gather [hbm4b:s1+s11], $0x80, s31, s11, $0xb8;
	[tilespmem:$0xA800] =	vst v63  }
0x1a: {  	_ =	swait.ge [sflag:s9], $0x4000  }
0x1b: {  	[sflag:s9] =	ssyncset.done $0x0  }
0x1c: {  	[sflag:s9] =	ssyncadd.s32 $0xFFFFC000  }
0x1d: {  	[hbm4b:s8+s3] =	stream.linear.scatter [tilespmem:s12], [sflag:$0x1], $0x4000, $0x38;
	[tilespmem:$0xA800] =	vst v63  }
0x1e: {  	_ =	swait.ge [sflag:s9], $0x4000  }
0x1f: {  	[sflag:s9] =	ssyncset.done $0x0  }
0x20: {  	[sflag:s9] =	ssyncadd.s32 $0xFFFFC000  }
0x21: {  	[hbm4b:s7+s3] =	stream.linear.scatter [tilespmem:s13], [sflag:$0x1], $0x4000, $0x38;
	[tilespmem:$0xA800] =	vst v63  }
0x22: {  	s17 =	simm.s32 $0x200;
	s18 =	simm.s32 $0x400;
	_ =	swait.ge [sflag:s9], $0x4000  }
0x23: {  	s16 =	sadd.s32 $0x800, s8;
	s15 =	sadd.s32 $0x800, s7;
	[sflag:s9] =	ssyncset.done $0x0  }
.LBB2_2:
0x24: {  	s19 =	sshra.s32 s17, $0x2  }
0x25: {  	[sflag:s9] =	ssyncadd.s32 $0xFFFFC000;
	s17 =	smov.u32 s18;
	s20 =	sadd.s32 $0x200, s18  }
0x26: {  	[tilespmem:s12], [sflag:$0x1] =	stream.indirect.gather [hbm4b:s1+s11], $0x80, s19, s11, $0xb8;
	[tilespmem:$0xA800] =	vst v63  }
0x27: {  	p0 =	sne.s32 s18, $0x4E00;
	_ =	swait.ge [sflag:s9], $0x4000  }
0x28: {  	[sflag:s9] =	ssyncset.done $0x0  }
0x29: {  	s18 =	sadd.s32 $0x1400, s19;
	[sflag:s9] =	ssyncadd.s32 $0xFFFFC000  }
0x2a: {  	[tilespmem:s13], [sflag:$0x1] =	stream.indirect.gather [hbm4b:s1+s11], $0x80, s18, s11, $0xb8;
	[tilespmem:$0xA800] =	vst v63  }
0x2b: {  	_ =	swait.ge [sflag:s9], $0x4000  }
0x2c: {  	[sflag:s9] =	ssyncset.done $0x0  }
0x2d: {  	[sflag:s9] =	ssyncadd.s32 $0xFFFFC000  }
0x2e: {  	[hbm4b:s16+s3] =	stream.linear.scatter [tilespmem:s12], [sflag:$0x1], $0x4000, $0x38;
	[tilespmem:$0xA800] =	vst v63  }
0x2f: {  	_ =	swait.ge [sflag:s9], $0x4000  }
.Ltmp0:
0x30: {  	[sflag:s9] =	ssyncset.done $0x0;
	(pc) =	sbr.rel @p0 .LBB2_2-.Ltmp0, $4  }
0x31: {  	[sflag:s9] =	ssyncadd.s32 $0xFFFFC000  }
0x32: {  	[hbm4b:s15+s3] =	stream.linear.scatter [tilespmem:s13], [sflag:$0x1], $0x4000, $0x38;
	[tilespmem:$0xA800] =	vst v63  }
0x33: {  	s18 =	smov.u32 s20;
	_ =	swait.ge [sflag:s9], $0x4000  }
0x34: {  	s16 =	sadd.s32 $0x800, s16;
	s15 =	sadd.s32 $0x800, s15;
	[sflag:s9] =	ssyncset.done $0x0  }
0x35: {  	s17 =	sshra.s32 s17, $0x2;
	[sflag:s9] =	ssyncadd.s32 $0xFFFFC000  }
0x36: {  	[tilespmem:s12], [sflag:$0x1] =	stream.indirect.gather [hbm4b:s1+s11], $0x80, s17, s11, $0xb8;
	[tilespmem:$0xA800] =	vst v63  }
0x37: {  	_ =	swait.ge [sflag:s9], $0x4000  }
0x38: {  	[sflag:s9] =	ssyncset.done $0x0  }
0x39: {  	s17 =	sadd.s32 $0x1400, s17;
	[sflag:s9] =	ssyncadd.s32 $0xFFFFC000  }
0x3a: {  	[tilespmem:s13], [sflag:$0x1] =	stream.indirect.gather [hbm4b:s1+s11], $0x80, s17, s11, $0xb8;
	[tilespmem:$0xA800] =	vst v63  }
0x3b: {  	_ =	swait.ge [sflag:s9], $0x4000  }
0x3c: {  	[sflag:s9] =	ssyncset.done $0x0  }
0x3d: {  	[sflag:s9] =	ssyncadd.s32 $0xFFFFC000  }
0x3e: {  	[hbm4b:s16+s3] =	stream.linear.scatter [tilespmem:s12], [sflag:$0x1], $0x4000, $0x38;
	[tilespmem:$0xA800] =	vst v63  }
0x3f: {  	s14 =	sadd.s32 $0x1, s14;
	_ =	swait.ge [sflag:s9], $0x4000  }
0x40: {  	p0 =	sne.s32 s14, s6;
	[sflag:s9] =	ssyncset.done $0x0  }
.Ltmp1:
0x41: {  	[sflag:s9] =	ssyncadd.s32 $0xFFFFC000;
	(pc) =	sbr.rel @p0 .LBB2_1-.Ltmp1, $4  }
0x42: {  	[hbm4b:s15+s3] =	stream.linear.scatter [tilespmem:s13], [sflag:$0x1], $0x4000, $0x38;
	[tilespmem:$0xA800] =	vst v63  }
0x43: {  	_ =	swait.ge [sflag:s9], $0x4000  }
0x44: {  	[sflag:s9] =	ssyncset.done $0x0  }
0x45: {  	[sflag:s9] =	ssyncadd.s32 $0xFFFFC000  }
0x46: {  	_ =	sfence.sel $0x180000  }
0x47: {  	[bflag:$0x0] =	sbarrier.arrive $0xFFFF  }
0x48: {  	p0 =	sne.s32 s0, $0x0;
	_ =	strace $0x9000004A  }
0x49: {  	s0 =	sadd.s32 @!p0 $0x100000, s2;
	[bflag:$0x2] =	sbarrier.arrive $0xFFFF  }
0x4a: {  	[sflag:s0] =	ssyncadd.tile.s32 @!p0 $0x1;
	_ =	shalt  }
.Lfunc_end2:
_tile_overlayer_lowered:
.L_overlay_start_2:
0x4b: {  	(tag) =	ssettag $0x2  }
0x4c: {  	s0 =	rddreg [dreg:$0x0];
	s2 =	stileid.u32  }
0x4d: {  	s1 =	rddreg [dreg:$0x1];
	p0 =	sne.s32 s2, $0x0  }
0x4e: {  	s3 =	rddreg [dreg:$0x2];
	[bflag:$0x3] =	sbarrier.arrive $0xFFFF;
	s2 =	simm.s32 @!p0 $0x1C01  }
0x4f: {  	[timem:s3], [sflag:s2] =	dma.local @!p0 [hbm:s0], s1  }
0x50: {  	s0 =	simm.s32 @!p0 $0x1  }
0x51: {  	_ =	swait.ge @!p0 [sflag:s0], s1  }
0x52: {  	s1 =	ssub.s32 @!p0 $0x0, s1;
	[sflag:s0] =	ssyncset.done @!p0 $0x0  }
0x53: {  	[sflag:s0] =	ssyncadd.s32 @!p0 s1  }
0x54: {  	[bflag:$0x3] =	sbarrier.arrive $0xFFFF  }
0x55: {  	_ =	shalt  }

</sc_bundles>
